<compile_context>
chip_gen: v7x
topology: tpu7x:2x2x1
jax: 0.10.2.dev20260603
libtpu: 0.0.44.dev20260713+nightly
codegen_flags: <defaults>
</compile_context>

<pallas_src>
import functools

import jax
import jax.numpy as jnp
from jax import lax
from jax.experimental import pallas as pl
from jax.experimental.pallas import tpu as pltpu
from jax.experimental.pallas import tpu_sc as plsc

_F32 = jnp.float32
_DEF = jax.lax.Precision.DEFAULT
_BIG = 1e30


def _erf(x):
    a1, a2, a3, a4, a5 = 0.254829592, -0.284496736, 1.421413741, -1.453152027, 1.061405429
    p = 0.3275911
    s = jnp.sign(x)
    ax = jnp.abs(x)
    t = 1.0 / (1.0 + p * ax)
    poly = ((((a5 * t + a4) * t + a3) * t + a2) * t + a1) * t
    return s * (1.0 - poly * jnp.exp(-ax * ax))


def _top4_gather(c_tile, cT, emb, n_cand, k):
    rowsq = jnp.sum(c_tile * c_tile, axis=1, keepdims=True)
    colsq = jnp.sum(cT * cT, axis=0, keepdims=True)
    rc = jax.lax.dot_general(c_tile, cT, (((1,), (0,)), ((), ())), precision=_DEF)
    d2 = jnp.maximum(rowsq + colsq - 2.0 * rc, 0.0)
    T = c_tile.shape[0]
    iota = jax.lax.broadcasted_iota(jnp.int32, (T, n_cand), 1).astype(_F32)
    feats = []
    for i in range(k):
        m = jnp.min(d2, axis=1, keepdims=True)
        cand = jnp.where(d2 == m, iota, float(n_cand))
        idxk = jnp.min(cand, axis=1, keepdims=True)
        hit = iota == idxk
        oh = hit.astype(_F32)
        if emb.shape[1] == n_cand:
            nattr = jax.lax.dot_general(oh, emb, (((1,), (1,)), ((), ())), precision=_DEF)
        else:
            nattr = jax.lax.dot_general(oh, emb, (((1,), (0,)), ((), ())), precision=_DEF)
        if i + 1 < k:
            d2 = jnp.where(hit, _BIG, d2)
        feats.append(jnp.sqrt(m + 1e-10))
        feats.append(nattr)
    return feats


def _atom_kernel(c_tile_ref, cT_ref, attr_ref, idxres_ref, tblT_ref,
                 feat_ref, idxg_ref, *, TA, La, L, K):
    b = pl.program_id(0)
    c_tile = c_tile_ref[0]
    cT = cT_ref[0]
    attr = attr_ref[0]
    idxres = idxres_ref[0]
    tblT = tblT_ref[...]

    embT = jnp.zeros((tblT.shape[0], La), _F32)
    for v in range(tblT.shape[1]):
        embT = embT + tblT[:, v:v + 1] * (attr == float(v)).astype(_F32)

    feats = _top4_gather(c_tile, cT, embT, La, K)
    pad = feat_ref.shape[2] - 52
    feats.append(jnp.zeros((TA, pad), _F32))
    feat_ref[...] = jnp.concatenate(feats, axis=1)[None]
    idxg_ref[...] = (idxres + jnp.float32(L) * b.astype(_F32))[None].astype(jnp.int32)


def _make_sc_scatter(n_rows, n_atoms, width, chunk):
    NC, NS = 2, 16
    n_j = chunk // 128
    rows_per_sub = n_rows // NS
    wb_per_sub = (n_rows // NC) // NS
    mesh = plsc.VectorSubcoreMesh(core_axis_name="c", subcore_axis_name="s")

    @functools.partial(
        pl.kernel, mesh=mesh,
        out_type=jax.ShapeDtypeStruct((n_rows, width), _F32),
        scratch_types=[
            [pltpu.VMEM((128,), jnp.int32) for _ in range(n_j)],
            pltpu.VMEM((chunk, width), _F32),
            pltpu.VMEM((rows_per_sub, width), _F32),
            pltpu.VMEM_SHARED((n_rows, width), _F32),
        ],
    )
    def sc_scatter(feat_hbm, idx_hbm, out_hbm, idx_refs, feat_v, zbuf, acc):
        c = lax.axis_index("c")
        s = lax.axis_index("s")
        wid = c * NS + s
        base = wid * chunk

        def zbody(i, carry):
            for j in range(width // 16):
                zbuf[i, pl.ds(j * 16, 16)] = jnp.zeros((16,), _F32)
            return carry

        lax.fori_loop(0, rows_per_sub, zbody, 0)
        pltpu.sync_copy(zbuf, acc.at[pl.ds(s * rows_per_sub, rows_per_sub)])
        for j in range(n_j):
            pltpu.sync_copy(idx_hbm.at[pl.ds(base + j * 128, 128)], idx_refs[j])
        pltpu.sync_copy(feat_hbm.at[pl.ds(base, chunk)], feat_v)
        plsc.subcore_barrier()
        for j in range(n_j):
            pltpu.sync_copy(feat_v.at[pl.ds(j * 128, 128)],
                            acc.at[idx_refs[j]], add=True)
        plsc.subcore_barrier()
        wb = c * (n_rows // NC) + s * wb_per_sub
        pltpu.sync_copy(acc.at[pl.ds(wb, wb_per_sub)],
                        out_hbm.at[pl.ds(wb, wb_per_sub)])

    return sc_scatter


def _res_kernel(c_tile_ref, cT_ref, attr_ref, gath_ref, Waa_ref, baa_ref,
                W1_ref, b1_ref, g_ref, be_ref, W2_ref, b2_ref, out_ref,
                *, TR, L, K, DPAD):
    c_tile = c_tile_ref[0]
    cT = cT_ref[0]
    attr = attr_ref[0]
    gath = gath_ref[0][:, :52]

    emb_aa = jax.lax.dot_general(attr, Waa_ref[...], (((1,), (0,)), ((), ())),
                                 precision=_DEF) + baa_ref[...]
    emb = jnp.concatenate([emb_aa, gath], axis=1)

    feats = _top4_gather(c_tile, cT, emb, L, K)
    feats.append(jnp.zeros((c_tile.shape[0], DPAD - 276), _F32))
    feat = jnp.concatenate(feats, axis=1)

    h = jax.lax.dot_general(feat, W1_ref[...], (((1,), (0,)), ((), ())),
                            precision=_DEF) + b1_ref[...]
    mu = jnp.mean(h, axis=1, keepdims=True)
    var = jnp.mean((h - mu) ** 2, axis=1, keepdims=True)
    hn = (h - mu) / jnp.sqrt(var + 1e-5) * g_ref[...] + be_ref[...]
    ge = 0.5 * hn * (1.0 + _erf(hn * 0.7071067811865476))
    logits = jax.lax.dot_general(ge, W2_ref[...], (((1,), (0,)), ((), ())),
                                 precision=_DEF) + b2_ref[...]
    out_ref[...] = logits[None]


def kernel(coord_aa, attr_aa, triplets_aa, indices_aa, coord_atom, attr_atom,
           triplets_atom, indices_atom, W_aa, b_aa, atom_table, W1, b1, gamma,
           beta, W2, b2):
    B, L, _ = coord_aa.shape
    La = coord_atom.shape[1]
    K = 4
    TA = 1024
    TR = 1024
    DPAD = 384
    WID = 128

    c_atom = coord_atom.astype(_F32)
    c_atomT = jnp.transpose(c_atom, (0, 2, 1))
    attr_f = attr_atom.astype(_F32)[:, None, :]
    idxres_f = indices_atom[..., 0].astype(_F32)[:, None, :]
    tblT = atom_table.T.astype(_F32)

    atom_feat, idx_g = pl.pallas_call(
        functools.partial(_atom_kernel, TA=TA, La=La, L=L, K=K),
        grid=(B, La // TA),
        in_specs=[
            pl.BlockSpec((1, TA, 3), lambda b, t: (b, t, 0)),
            pl.BlockSpec((1, 3, La), lambda b, t: (b, 0, 0)),
            pl.BlockSpec((1, 1, La), lambda b, t: (b, 0, 0)),
            pl.BlockSpec((1, 1, TA), lambda b, t: (b, 0, t)),
            pl.BlockSpec((12, 13), lambda b, t: (0, 0)),
        ],
        out_specs=[
            pl.BlockSpec((1, TA, WID), lambda b, t: (b, t, 0)),
            pl.BlockSpec((1, 1, TA), lambda b, t: (b, 0, t)),
        ],
        out_shape=[
            jax.ShapeDtypeStruct((B, La, WID), _F32),
            jax.ShapeDtypeStruct((B, 1, La), jnp.int32),
        ],
    )(c_atom, c_atomT, attr_f, idxres_f, tblT)

    n_tot = B * La
    sc_scatter = _make_sc_scatter(B * L, n_tot, WID, n_tot // 32)
    gathered = sc_scatter(atom_feat.reshape(n_tot, WID),
                          idx_g.reshape(n_tot))
    gathered = gathered.reshape(B, L, WID)

    c_aa = coord_aa.astype(_F32)
    c_aaT = jnp.transpose(c_aa, (0, 2, 1))
    W1p = W1[:DPAD].astype(_F32)

    out3 = pl.pallas_call(
        functools.partial(_res_kernel, TR=TR, L=L, K=K, DPAD=DPAD),
        grid=(B, L // TR),
        in_specs=[
            pl.BlockSpec((1, TR, 3), lambda b, t: (b, t, 0)),
            pl.BlockSpec((1, 3, L), lambda b, t: (b, 0, 0)),
            pl.BlockSpec((1, L, 20), lambda b, t: (b, 0, 0)),
            pl.BlockSpec((1, L, WID), lambda b, t: (b, 0, 0)),
            pl.BlockSpec((20, 16), lambda b, t: (0, 0)),
            pl.BlockSpec((1, 16), lambda b, t: (0, 0)),
            pl.BlockSpec((DPAD, 256), lambda b, t: (0, 0)),
            pl.BlockSpec((1, 256), lambda b, t: (0, 0)),
            pl.BlockSpec((1, 256), lambda b, t: (0, 0)),
            pl.BlockSpec((1, 256), lambda b, t: (0, 0)),
            pl.BlockSpec((256, 1), lambda b, t: (0, 0)),
            pl.BlockSpec((1, 1), lambda b, t: (0, 0)),
        ],
        out_specs=pl.BlockSpec((1, TR, 1), lambda b, t: (b, t, 0)),
        out_shape=jax.ShapeDtypeStruct((B, L, 1), _F32),
    )(c_aa, c_aaT, attr_aa.astype(_F32), gathered, W_aa.astype(_F32),
      b_aa.astype(_F32)[None], W1p, b1.astype(_F32)[None],
      gamma.astype(_F32)[None], beta.astype(_F32)[None], W2.astype(_F32),
      b2.astype(_F32)[None])

    return out3[..., 0]

# --- scband reference (transcript-rebuilt; emitter-appended) ---
"""Pipeline reference for scband-scan-net-2482491097353 (READ-ONLY COPY).

The authoritative reference and input builder live on the scoring server;
editing this copy changes nothing except your own understanding.
"""

import jax, jax.numpy as jnp
import numpy as np

B, L, La, K = 4, 1024, 2048, 4

def _pairwise_sq_dist(coord):
    sq = jnp.sum(coord * coord, axis=-1)
    d2 = sq[:, :, None] + sq[:, None, :] - 2.0 * jnp.einsum('bnd,bmd->bnm', coord, coord)
    return jnp.maximum(d2, 0.0)

def _local_neighborhood(coord, attr, k):
    # ScanNet LocalNeighborhood(Kmax=k, coordinates=['distance'], self_neighborhood=True, nrotations=1)
    d2 = _pairwise_sq_dist(coord)                      # [B,N,N]
    _, idx = jax.lax.top_k(-d2, k)                     # k nearest (incl. self)
    nd2 = jnp.take_along_axis(d2, idx, axis=2)         # [B,N,k]
    dist = jnp.sqrt(nd2 + 1e-10)[..., None]            # [B,N,k,1]
    nattr = jax.vmap(lambda a, i: a[i])(attr, idx)     # [B,N,k,D]
    return dist, nattr

def setup_inputs(seed: int = 0):
    key = jax.random.key(seed)
    ks = jax.random.split(key, 12)
    inp = {}
    inp['coord_aa'] = jax.random.normal(ks[0], (B, L, 3), dtype=jnp.float32) * 10.0
    inp['attr_aa'] = jax.random.normal(ks[1], (B, L, 20), dtype=jnp.float32)
    inp['triplets_aa'] = jax.random.randint(ks[2], (B, L, 3), 0, L)
    inp['indices_aa'] = jax.random.randint(ks[3], (B, L, 1), 0, L)
    inp['coord_atom'] = jax.random.normal(ks[4], (B, La, 3), dtype=jnp.float32) * 10.0
    inp['attr_atom'] = jax.random.randint(ks[5], (B, La), 0, 13)
    inp['triplets_atom'] = jax.random.randint(ks[6], (B, La, 3), 0, La)
    inp['indices_atom'] = jax.random.randint(ks[7], (B, La, 1), 0, L)
    # learned params
    inp['W_aa'] = jax.random.normal(ks[8], (20, 16), dtype=jnp.float32) * 0.1
    inp['b_aa'] = jnp.zeros((16,), dtype=jnp.float32)
    tbl = jax.random.normal(ks[9], (13, 12), dtype=jnp.float32) * 0.1
    inp['atom_table'] = tbl.at[0].set(0.0)  # padding_idx=0
    inp['W1'] = jax.random.normal(ks[10], (6032, 256), dtype=jnp.float32) * 0.02
    inp['b1'] = jnp.zeros((256,), dtype=jnp.float32)
    inp['gamma'] = jnp.ones((256,), dtype=jnp.float32)
    inp['beta'] = jnp.zeros((256,), dtype=jnp.float32)
    inp['W2'] = jax.random.normal(ks[11], (256, 1), dtype=jnp.float32) * 0.05
    inp['b2'] = jnp.zeros((1,), dtype=jnp.float32)
    return inp

def reference(coord_aa, attr_aa, triplets_aa, indices_aa, coord_atom, attr_atom, triplets_atom, indices_atom, W_aa, b_aa, atom_table, W1, b1, gamma, beta, W2, b2):
    emb_aa = attr_aa @ W_aa + b_aa                                     # [B,L,16]
    emb_atom = jnp.take(atom_table, attr_atom, axis=0)                 # [B,La,12]
    dist_a, nattr_a = _local_neighborhood(coord_atom, emb_atom, K)
    atom_feat = jnp.concatenate([dist_a, nattr_a], axis=-1)            # [B,La,K,13]
    idx = indices_atom[:, :, 0]                                        # [B,La]
    gathered = jax.vmap(lambda s, i: jnp.zeros((L,) + s.shape[1:], s.dtype).at[i].add(s))(atom_feat, idx)  # [B,L,K,13]
    gathered = gathered.reshape(gathered.shape[0], gathered.shape[1], -1)  # [B,L,52]
    emb_aa = jnp.concatenate([emb_aa, gathered], axis=-1)              # [B,L,68]
    dist_r, nattr_r = _local_neighborhood(coord_aa, emb_aa, K)
    feat = jnp.concatenate([dist_r, nattr_r], axis=-1)                 # [B,L,K,69]
    Bb, Ll, Kk, Dd = feat.shape
    feat = feat.reshape(Bb, Ll, Kk * Dd)                               # [B,L,276]
    pad = 6032 - feat.shape[-1]
    feat = jnp.pad(feat, ((0, 0), (0, 0), (0, pad)))                   # [B,L,6032]
    h = feat @ W1 + b1
    mu = jnp.mean(h, axis=-1, keepdims=True)
    var = jnp.var(h, axis=-1, keepdims=True)
    h = (h - mu) / jnp.sqrt(var + 1e-5) * gamma + beta
    h = jax.nn.gelu(h, approximate=False)
    logits = (h @ W2 + b2)[..., 0]                                     # [B,L]
    return logits

if __name__ == "__main__":
    import jax
    _d = setup_inputs()
    print(jax.jit(kernel)(*tuple(_d.values())))

</pallas_src>

<mosaic_0001>
#map = affine_map<(d0, d1) -> (0, 0)>
#map1 = affine_map<(d0, d1) -> (0)>
module attributes {stable_mosaic.version = 14 : i64} {
  func.func @sc_scatter(%arg0: i32, %arg1: i32, %arg2: memref<8192x128xf32, #tpu.memory_space<hbm>>, %arg3: memref<8192xi32, #tpu.memory_space<hbm>>, %arg4: memref<4096x128xf32, #tpu.memory_space<hbm>>, %arg5: memref<128xi32, #tpu.memory_space<vmem>>, %arg6: memref<128xi32, #tpu.memory_space<vmem>>, %arg7: memref<256x128xf32, #tpu.memory_space<vmem>>, %arg8: memref<256x128xf32, #tpu.memory_space<vmem>>, %arg9: memref<4096x128xf32, #tpu.memory_space<vmem_shared>>) attributes {dimension_semantics = [#tpu.dimension_semantics<core_parallel>, #tpu.dimension_semantics<subcore_parallel>], iteration_bounds = array<i64: 2, 16>, scalar_prefetch = 0 : i64, scratch_operands = 5 : i64, tpu.core_type = #tpu.core_type<sc_vector_subcore>, window_params = [{transform_indices = #map}, {transform_indices = #map1}, {transform_indices = #map}]} {
    %mul3A = arith.constant 16 : i32
    %mul3A_0 = arith.muli %arg0, %mul3A : i32
    %add3A = arith.addi %mul3A_0, %arg1 : i32
    %mul3A_1 = arith.constant 256 : i32
    %mul3A_2 = arith.muli %add3A, %mul3A_1 : i32
    %scan3A = arith.constant 0 : i32
    %scan3A_3 = arith.constant 0 : i32
    %scan3A_4 = arith.constant 256 : i32
    %scan3A_5 = arith.addi %scan3A_3, %scan3A_4 : i32
    %scan3A_6 = arith.constant 1 : i32
    scf.for %scan3A_20 = %scan3A_3 to %scan3A_5 step %scan3A_6  : i32 {
      %broadcast_in_dim3A = arith.constant 0.000000e+00 : f32
      %broadcast_in_dim3A_21 = vector.broadcast %broadcast_in_dim3A : f32 to vector<16xf32>
      %swap3A = arith.index_cast %scan3A_20 : i32 to index
      %swap3A_22 = arith.constant 0 : index
      %swap3A_23 = tpu.vector_load %arg8[%swap3A, %swap3A_22] {strides = array<i32>} : memref<256x128xf32, #tpu.memory_space<vmem>>, vector<1x16xf32>,
      %swap3A_24 = vector.shape_cast %swap3A_23 : vector<1x16xf32> to vector<16xf32>
      %swap3A_25 = vector.shape_cast %broadcast_in_dim3A_21 : vector<16xf32> to vector<1x16xf32>
      tpu.vector_store %arg8[%swap3A, %swap3A_22], %swap3A_25 {strides = array<i32>} : memref<256x128xf32, #tpu.memory_space<vmem>>, vector<1x16xf32>,
      %broadcast_in_dim3A_26 = arith.constant 0.000000e+00 : f32
      %broadcast_in_dim3A_27 = vector.broadcast %broadcast_in_dim3A_26 : f32 to vector<16xf32>
      %swap3A_28 = arith.index_cast %scan3A_20 : i32 to index
      %swap3A_29 = arith.constant 16 : index
      %swap3A_30 = tpu.vector_load %arg8[%swap3A_28, %swap3A_29] {strides = array<i32>} : memref<256x128xf32, #tpu.memory_space<vmem>>, vector<1x16xf32>,
      %swap3A_31 = vector.shape_cast %swap3A_30 : vector<1x16xf32> to vector<16xf32>
      %swap3A_32 = vector.shape_cast %broadcast_in_dim3A_27 : vector<16xf32> to vector<1x16xf32>
      tpu.vector_store %arg8[%swap3A_28, %swap3A_29], %swap3A_32 {strides = array<i32>} : memref<256x128xf32, #tpu.memory_space<vmem>>, vector<1x16xf32>,
      %broadcast_in_dim3A_33 = arith.constant 0.000000e+00 : f32
      %broadcast_in_dim3A_34 = vector.broadcast %broadcast_in_dim3A_33 : f32 to vector<16xf32>
      %swap3A_35 = arith.index_cast %scan3A_20 : i32 to index
      %swap3A_36 = arith.constant 32 : index
      %swap3A_37 = tpu.vector_load %arg8[%swap3A_35, %swap3A_36] {strides = array<i32>} : memref<256x128xf32, #tpu.memory_space<vmem>>, vector<1x16xf32>,
      %swap3A_38 = vector.shape_cast %swap3A_37 : vector<1x16xf32> to vector<16xf32>
      %swap3A_39 = vector.shape_cast %broadcast_in_dim3A_34 : vector<16xf32> to vector<1x16xf32>
      tpu.vector_store %arg8[%swap3A_35, %swap3A_36], %swap3A_39 {strides = array<i32>} : memref<256x128xf32, #tpu.memory_space<vmem>>, vector<1x16xf32>,
      %broadcast_in_dim3A_40 = arith.constant 0.000000e+00 : f32
      %broadcast_in_dim3A_41 = vector.broadcast %broadcast_in_dim3A_40 : f32 to vector<16xf32>
      %swap3A_42 = arith.index_cast %scan3A_20 : i32 to index
      %swap3A_43 = arith.constant 48 : index
      %swap3A_44 = tpu.vector_load %arg8[%swap3A_42, %swap3A_43] {strides = array<i32>} : memref<256x128xf32, #tpu.memory_space<vmem>>, vector<1x16xf32>,
      %swap3A_45 = vector.shape_cast %swap3A_44 : vector<1x16xf32> to vector<16xf32>
      %swap3A_46 = vector.shape_cast %broadcast_in_dim3A_41 : vector<16xf32> to vector<1x16xf32>
      tpu.vector_store %arg8[%swap3A_42, %swap3A_43], %swap3A_46 {strides = array<i32>} : memref<256x128xf32, #tpu.memory_space<vmem>>, vector<1x16xf32>,
      %broadcast_in_dim3A_47 = arith.constant 0.000000e+00 : f32
      %broadcast_in_dim3A_48 = vector.broadcast %broadcast_in_dim3A_47 : f32 to vector<16xf32>
      %swap3A_49 = arith.index_cast %scan3A_20 : i32 to index
      %swap3A_50 = arith.constant 64 : index
      %swap3A_51 = tpu.vector_load %arg8[%swap3A_49, %swap3A_50] {strides = array<i32>} : memref<256x128xf32, #tpu.memory_space<vmem>>, vector<1x16xf32>,
      %swap3A_52 = vector.shape_cast %swap3A_51 : vector<1x16xf32> to vector<16xf32>
      %swap3A_53 = vector.shape_cast %broadcast_in_dim3A_48 : vector<16xf32> to vector<1x16xf32>
      tpu.vector_store %arg8[%swap3A_49, %swap3A_50], %swap3A_53 {strides = array<i32>} : memref<256x128xf32, #tpu.memory_space<vmem>>, vector<1x16xf32>,
      %broadcast_in_dim3A_54 = arith.constant 0.000000e+00 : f32
      %broadcast_in_dim3A_55 = vector.broadcast %broadcast_in_dim3A_54 : f32 to vector<16xf32>
      %swap3A_56 = arith.index_cast %scan3A_20 : i32 to index
      %swap3A_57 = arith.constant 80 : index
      %swap3A_58 = tpu.vector_load %arg8[%swap3A_56, %swap3A_57] {strides = array<i32>} : memref<256x128xf32, #tpu.memory_space<vmem>>, vector<1x16xf32>,
      %swap3A_59 = vector.shape_cast %swap3A_58 : vector<1x16xf32> to vector<16xf32>
      %swap3A_60 = vector.shape_cast %broadcast_in_dim3A_55 : vector<16xf32> to vector<1x16xf32>
      tpu.vector_store %arg8[%swap3A_56, %swap3A_57], %swap3A_60 {strides = array<i32>} : memref<256x128xf32, #tpu.memory_space<vmem>>, vector<1x16xf32>,
      %broadcast_in_dim3A_61 = arith.constant 0.000000e+00 : f32
      %broadcast_in_dim3A_62 = vector.broadcast %broadcast_in_dim3A_61 : f32 to vector<16xf32>
      %swap3A_63 = arith.index_cast %scan3A_20 : i32 to index
      %swap3A_64 = arith.constant 96 : index
      %swap3A_65 = tpu.vector_load %arg8[%swap3A_63, %swap3A_64] {strides = array<i32>} : memref<256x128xf32, #tpu.memory_space<vmem>>, vector<1x16xf32>,
      %swap3A_66 = vector.shape_cast %swap3A_65 : vector<1x16xf32> to vector<16xf32>
      %swap3A_67 = vector.shape_cast %broadcast_in_dim3A_62 : vector<16xf32> to vector<1x16xf32>
      tpu.vector_store %arg8[%swap3A_63, %swap3A_64], %swap3A_67 {strides = array<i32>} : memref<256x128xf32, #tpu.memory_space<vmem>>, vector<1x16xf32>,
      %broadcast_in_dim3A_68 = arith.constant 0.000000e+00 : f32
      %broadcast_in_dim3A_69 = vector.broadcast %broadcast_in_dim3A_68 : f32 to vector<16xf32>
      %swap3A_70 = arith.index_cast %scan3A_20 : i32 to index
      %swap3A_71 = arith.constant 112 : index
      %swap3A_72 = tpu.vector_load %arg8[%swap3A_70, %swap3A_71] {strides = array<i32>} : memref<256x128xf32, #tpu.memory_space<vmem>>, vector<1x16xf32>,
      %swap3A_73 = vector.shape_cast %swap3A_72 : vector<1x16xf32> to vector<16xf32>
      %swap3A_74 = vector.shape_cast %broadcast_in_dim3A_69 : vector<16xf32> to vector<1x16xf32>
      tpu.vector_store %arg8[%swap3A_70, %swap3A_71], %swap3A_74 {strides = array<i32>} : memref<256x128xf32, #tpu.memory_space<vmem>>, vector<1x16xf32>,
    }
    %scan3A_7 = arith.constant 256 : i32
    %mul3A_8 = arith.constant 256 : i32
    %mul3A_9 = arith.muli %arg1, %mul3A_8 : i32
    "tpu.region"() ({
      %run_scoped3A = tpu.sem_alloc : memref<!tpu.dma_semaphore, #tpu.memory_space<semaphore_mem>>
      %dma_start3A = arith.constant 0 : i32
      %dma_start3A_20 = tpu.memref_slice %arg9[%mul3A_9, %dma_start3A] : memref<4096x128xf32, #tpu.memory_space<vmem_shared>> -> memref<256x128xf32, #tpu.memory_space<vmem_shared>>
      %dma_start3A_21 = arith.constant 0 : i32
      %dma_start3A_22 = tpu.memref_slice %arg9[%mul3A_9, %dma_start3A_21] : memref<4096x128xf32, #tpu.memory_space<vmem_shared>> -> memref<256x128xf32, #tpu.memory_space<vmem_shared>>
      tpu.enqueue_dma source(%arg8 : memref<256x128xf32, #tpu.memory_space<vmem>>) target(%dma_start3A_22 : memref<256x128xf32, #tpu.memory_space<vmem_shared>>) target_semaphore(%run_scoped3A : memref<!tpu.dma_semaphore, #tpu.memory_space<semaphore_mem>>)
      %dma_wait3A = arith.constant 0 : i32
      %dma_wait3A_23 = tpu.memref_slice %arg9[%mul3A_9, %dma_wait3A] : memref<4096x128xf32, #tpu.memory_space<vmem_shared>> -> memref<256x128xf32, #tpu.memory_space<vmem_shared>>
      %dma_wait3A_24 = arith.constant 0 : i32
      %dma_wait3A_25 = tpu.memref_slice %arg9[%mul3A_9, %dma_wait3A_24] : memref<4096x128xf32, #tpu.memory_space<vmem_shared>> -> memref<256x128xf32, #tpu.memory_space<vmem_shared>>
      tpu.wait_dma2 semaphore(%run_scoped3A : memref<!tpu.dma_semaphore, #tpu.memory_space<semaphore_mem>>) src(%arg8 : memref<256x128xf32, #tpu.memory_space<vmem>>) dst(%dma_wait3A_25 : memref<256x128xf32, #tpu.memory_space<vmem_shared>>)
      tpu.yield
    }) : () -> ()
    %add3A_10 = arith.constant 0 : i32
    %add3A_11 = arith.addi %mul3A_2, %add3A_10 : i32
    "tpu.region"() ({
      %run_scoped3A = tpu.sem_alloc : memref<!tpu.dma_semaphore, #tpu.memory_space<semaphore_mem>>
      %dma_start3A = tpu.memref_slice %arg3[%add3A_11] : memref<8192xi32, #tpu.memory_space<hbm>> -> memref<128xi32, #tpu.memory_space<hbm>>
      %dma_start3A_20 = tpu.memref_slice %arg3[%add3A_11] : memref<8192xi32, #tpu.memory_space<hbm>> -> memref<128xi32, #tpu.memory_space<hbm>>
      tpu.enqueue_dma source(%dma_start3A_20 : memref<128xi32, #tpu.memory_space<hbm>>) target(%arg5 : memref<128xi32, #tpu.memory_space<vmem>>) target_semaphore(%run_scoped3A : memref<!tpu.dma_semaphore, #tpu.memory_space<semaphore_mem>>)
      %dma_wait3A = tpu.memref_slice %arg3[%add3A_11] : memref<8192xi32, #tpu.memory_space<hbm>> -> memref<128xi32, #tpu.memory_space<hbm>>
      %dma_wait3A_21 = tpu.memref_slice %arg3[%add3A_11] : memref<8192xi32, #tpu.memory_space<hbm>> -> memref<128xi32, #tpu.memory_space<hbm>>
      tpu.wait_dma2 semaphore(%run_scoped3A : memref<!tpu.dma_semaphore, #tpu.memory_space<semaphore_mem>>) src(%dma_wait3A_21 : memref<128xi32, #tpu.memory_space<hbm>>) dst(%arg5 : memref<128xi32, #tpu.memory_space<vmem>>)
      tpu.yield
    }) : () -> ()
    %add3A_12 = arith.constant 128 : i32
    %add3A_13 = arith.addi %mul3A_2, %add3A_12 : i32
    "tpu.region"() ({
      %run_scoped3A = tpu.sem_alloc : memref<!tpu.dma_semaphore, #tpu.memory_space<semaphore_mem>>
      %dma_start3A = tpu.memref_slice %arg3[%add3A_13] : memref<8192xi32, #tpu.memory_space<hbm>> -> memref<128xi32, #tpu.memory_space<hbm>>
      %dma_start3A_20 = tpu.memref_slice %arg3[%add3A_13] : memref<8192xi32, #tpu.memory_space<hbm>> -> memref<128xi32, #tpu.memory_space<hbm>>
      tpu.enqueue_dma source(%dma_start3A_20 : memref<128xi32, #tpu.memory_space<hbm>>) target(%arg6 : memref<128xi32, #tpu.memory_space<vmem>>) target_semaphore(%run_scoped3A : memref<!tpu.dma_semaphore, #tpu.memory_space<semaphore_mem>>)
      %dma_wait3A = tpu.memref_slice %arg3[%add3A_13] : memref<8192xi32, #tpu.memory_space<hbm>> -> memref<128xi32, #tpu.memory_space<hbm>>
      %dma_wait3A_21 = tpu.memref_slice %arg3[%add3A_13] : memref<8192xi32, #tpu.memory_space<hbm>> -> memref<128xi32, #tpu.memory_space<hbm>>
      tpu.wait_dma2 semaphore(%run_scoped3A : memref<!tpu.dma_semaphore, #tpu.memory_space<semaphore_mem>>) src(%dma_wait3A_21 : memref<128xi32, #tpu.memory_space<hbm>>) dst(%arg6 : memref<128xi32, #tpu.memory_space<vmem>>)
      tpu.yield
    }) : () -> ()
    "tpu.region"() ({
      %run_scoped3A = tpu.sem_alloc : memref<!tpu.dma_semaphore, #tpu.memory_space<semaphore_mem>>
      %dma_start3A = arith.constant 0 : i32
      %dma_start3A_20 = tpu.memref_slice %arg2[%mul3A_2, %dma_start3A] : memref<8192x128xf32, #tpu.memory_space<hbm>> -> memref<256x128xf32, #tpu.memory_space<hbm>>
      %dma_start3A_21 = arith.constant 0 : i32
      %dma_start3A_22 = tpu.memref_slice %arg2[%mul3A_2, %dma_start3A_21] : memref<8192x128xf32, #tpu.memory_space<hbm>> -> memref<256x128xf32, #tpu.memory_space<hbm>>
      tpu.enqueue_dma source(%dma_start3A_22 : memref<256x128xf32, #tpu.memory_space<hbm>>) target(%arg7 : memref<256x128xf32, #tpu.memory_space<vmem>>) target_semaphore(%run_scoped3A : memref<!tpu.dma_semaphore, #tpu.memory_space<semaphore_mem>>)
      %dma_wait3A = arith.constant 0 : i32
      %dma_wait3A_23 = tpu.memref_slice %arg2[%mul3A_2, %dma_wait3A] : memref<8192x128xf32, #tpu.memory_space<hbm>> -> memref<256x128xf32, #tpu.memory_space<hbm>>
      %dma_wait3A_24 = arith.constant 0 : i32
      %dma_wait3A_25 = tpu.memref_slice %arg2[%mul3A_2, %dma_wait3A_24] : memref<8192x128xf32, #tpu.memory_space<hbm>> -> memref<256x128xf32, #tpu.memory_space<hbm>>
      tpu.wait_dma2 semaphore(%run_scoped3A : memref<!tpu.dma_semaphore, #tpu.memory_space<semaphore_mem>>) src(%dma_wait3A_25 : memref<256x128xf32, #tpu.memory_space<hbm>>) dst(%arg7 : memref<256x128xf32, #tpu.memory_space<vmem>>)
      tpu.yield
    }) : () -> ()
    %barrier3A = arith.constant 0 : index
    tpu.barrier barrier_id(%barrier3A)
    "tpu.region"() ({
      %run_scoped3A = tpu.sem_alloc : memref<!tpu.dma_semaphore, #tpu.memory_space<semaphore_mem>>
      %dma_start3A = arith.constant 0 : i32
      %dma_start3A_20 = arith.constant 0 : i32
      %dma_start3A_21 = tpu.memref_slice %arg7[%dma_start3A, %dma_start3A_20] : memref<256x128xf32, #tpu.memory_space<vmem>> -> memref<128x128xf32, #tpu.memory_space<vmem>>
      %dma_start3A_22 = arith.constant 0 : i32
      %dma_start3A_23 = arith.constant 0 : i32
      %dma_start3A_24 = tpu.memref_slice %arg9[%dma_start3A_22, %dma_start3A_23] : memref<4096x128xf32, #tpu.memory_space<vmem_shared>> -> memref<4096x128xf32, #tpu.memory_space<vmem_shared>>
      tpu.enqueue_indirect_dma source(%dma_start3A_21 : memref<128x128xf32, #tpu.memory_space<vmem>>) target(%dma_start3A_24 : memref<4096x128xf32, #tpu.memory_space<vmem_shared>>) offsets(%arg5 : memref<128xi32, #tpu.memory_space<vmem>>) semaphore(%run_scoped3A : memref<!tpu.dma_semaphore, #tpu.memory_space<semaphore_mem>>) {add = true}
      %dma_wait3A = arith.constant 0 : i32
      %dma_wait3A_25 = arith.constant 0 : i32
      %dma_wait3A_26 = tpu.memref_slice %arg7[%dma_wait3A, %dma_wait3A_25] : memref<256x128xf32, #tpu.memory_space<vmem>> -> memref<128x128xf32, #tpu.memory_space<vmem>>
      %dma_wait3A_27 = arith.constant 0 : i32
      %dma_wait3A_28 = arith.constant 0 : i32
      %dma_wait3A_29 = tpu.memref_slice %arg9[%dma_wait3A_27, %dma_wait3A_28] : memref<4096x128xf32, #tpu.memory_space<vmem_shared>> -> memref<4096x128xf32, #tpu.memory_space<vmem_shared>>
      tpu.wait_indirect_dma semaphore(%run_scoped3A : memref<!tpu.dma_semaphore, #tpu.memory_space<semaphore_mem>>) src(%dma_wait3A_26 : memref<128x128xf32, #tpu.memory_space<vmem>>) dst(%dma_wait3A_29 : memref<4096x128xf32, #tpu.memory_space<vmem_shared>>)
      tpu.yield
    }) : () -> ()
    "tpu.region"() ({
      %run_scoped3A = tpu.sem_alloc : memref<!tpu.dma_semaphore, #tpu.memory_space<semaphore_mem>>
      %dma_start3A = arith.constant 128 : i32
      %dma_start3A_20 = arith.constant 0 : i32
      %dma_start3A_21 = tpu.memref_slice %arg7[%dma_start3A, %dma_start3A_20] : memref<256x128xf32, #tpu.memory_space<vmem>> -> memref<128x128xf32, #tpu.memory_space<vmem>>
      %dma_start3A_22 = arith.constant 0 : i32
      %dma_start3A_23 = arith.constant 0 : i32
      %dma_start3A_24 = tpu.memref_slice %arg9[%dma_start3A_22, %dma_start3A_23] : memref<4096x128xf32, #tpu.memory_space<vmem_shared>> -> memref<4096x128xf32, #tpu.memory_space<vmem_shared>>
      tpu.enqueue_indirect_dma source(%dma_start3A_21 : memref<128x128xf32, #tpu.memory_space<vmem>>) target(%dma_start3A_24 : memref<4096x128xf32, #tpu.memory_space<vmem_shared>>) offsets(%arg6 : memref<128xi32, #tpu.memory_space<vmem>>) semaphore(%run_scoped3A : memref<!tpu.dma_semaphore, #tpu.memory_space<semaphore_mem>>) {add = true}
      %dma_wait3A = arith.constant 128 : i32
      %dma_wait3A_25 = arith.constant 0 : i32
      %dma_wait3A_26 = tpu.memref_slice %arg7[%dma_wait3A, %dma_wait3A_25] : memref<256x128xf32, #tpu.memory_space<vmem>> -> memref<128x128xf32, #tpu.memory_space<vmem>>
      %dma_wait3A_27 = arith.constant 0 : i32
      %dma_wait3A_28 = arith.constant 0 : i32
      %dma_wait3A_29 = tpu.memref_slice %arg9[%dma_wait3A_27, %dma_wait3A_28] : memref<4096x128xf32, #tpu.memory_space<vmem_shared>> -> memref<4096x128xf32, #tpu.memory_space<vmem_shared>>
      tpu.wait_indirect_dma semaphore(%run_scoped3A : memref<!tpu.dma_semaphore, #tpu.memory_space<semaphore_mem>>) src(%dma_wait3A_26 : memref<128x128xf32, #tpu.memory_space<vmem>>) dst(%dma_wait3A_29 : memref<4096x128xf32, #tpu.memory_space<vmem_shared>>)
      tpu.yield
    }) : () -> ()
    %barrier3A_14 = arith.constant 0 : index
    tpu.barrier barrier_id(%barrier3A_14)
    %mul3A_15 = arith.constant 2048 : i32
    %mul3A_16 = arith.muli %arg0, %mul3A_15 : i32
    %mul3A_17 = arith.constant 128 : i32
    %mul3A_18 = arith.muli %arg1, %mul3A_17 : i32
    %add3A_19 = arith.addi %mul3A_16, %mul3A_18 : i32
    "tpu.region"() ({
      %run_scoped3A = tpu.sem_alloc : memref<!tpu.dma_semaphore, #tpu.memory_space<semaphore_mem>>
      %dma_start3A = arith.constant 0 : i32
      %dma_start3A_20 = tpu.memref_slice %arg4[%add3A_19, %dma_start3A] : memref<4096x128xf32, #tpu.memory_space<hbm>> -> memref<128x128xf32, #tpu.memory_space<hbm>>
      %dma_start3A_21 = arith.constant 0 : i32
      %dma_start3A_22 = tpu.memref_slice %arg9[%add3A_19, %dma_start3A_21] : memref<4096x128xf32, #tpu.memory_space<vmem_shared>> -> memref<128x128xf32, #tpu.memory_space<vmem_shared>>
      tpu.enqueue_dma source(%dma_start3A_22 : memref<128x128xf32, #tpu.memory_space<vmem_shared>>) target(%dma_start3A_20 : memref<128x128xf32, #tpu.memory_space<hbm>>) target_semaphore(%run_scoped3A : memref<!tpu.dma_semaphore, #tpu.memory_space<semaphore_mem>>)
      %dma_wait3A = arith.constant 0 : i32
      %dma_wait3A_23 = tpu.memref_slice %arg4[%add3A_19, %dma_wait3A] : memref<4096x128xf32, #tpu.memory_space<hbm>> -> memref<128x128xf32, #tpu.memory_space<hbm>>
      %dma_wait3A_24 = arith.constant 0 : i32
      %dma_wait3A_25 = tpu.memref_slice %arg9[%add3A_19, %dma_wait3A_24] : memref<4096x128xf32, #tpu.memory_space<vmem_shared>> -> memref<128x128xf32, #tpu.memory_space<vmem_shared>>
      tpu.wait_dma2 semaphore(%run_scoped3A : memref<!tpu.dma_semaphore, #tpu.memory_space<semaphore_mem>>) src(%dma_wait3A_25 : memref<128x128xf32, #tpu.memory_space<vmem_shared>>) dst(%dma_wait3A_23 : memref<128x128xf32, #tpu.memory_space<hbm>>)
      tpu.yield
    }) : () -> ()
    return
  }
}

module attributes {stable_mosaic.version = 14 : i64} {
  func.func @_atom_kernel(%arg0: i32, %arg1: i32, %arg2: memref<1x1024x3xf32, #tpu.memory_space<vmem>>, %arg3: memref<1x3x2048xf32, #tpu.memory_space<vmem>>, %arg4: memref<1x1x2048xf32, #tpu.memory_space<vmem>>, %arg5: memref<1x1x1024xf32, #tpu.memory_space<vmem>>, %arg6: memref<12x13xf32, #tpu.memory_space<vmem>>, %arg7: memref<1x1024x128xf32, #tpu.memory_space<vmem>>, %arg8: memref<1x1x1024xi32, #tpu.memory_space<vmem>>) attributes {dimension_semantics = [#tpu.dimension_semantics<arbitrary>, #tpu.dimension_semantics<arbitrary>], iteration_bounds = array<i64: 4, 2>, scalar_prefetch = 0 : i64, scratch_operands = 0 : i64, tpu.core_type = #tpu.core_type<tc>, window_params = [{transform_indices = @transform_0, window_bounds = array<i64: 1, 1024, 3>}, {transform_indices = @transform_1, window_bounds = array<i64: 1, 3, 2048>}, {transform_indices = @transform_2, window_bounds = array<i64: 1, 1, 2048>}, {transform_indices = @transform_3, window_bounds = array<i64: 1, 1, 1024>}, {pipeline_mode = #tpu.pipeline_mode<synchronous>, transform_indices = @transform_4, window_bounds = array<i64: 12, 13>}, {transform_indices = @transform_5, window_bounds = array<i64: 1, 1024, 128>}, {transform_indices = @transform_6, window_bounds = array<i64: 1, 1, 1024>}]} {
    %get3A = arith.constant 0 : index
    %get3A_0 = arith.constant 0 : index
    %get3A_1 = arith.constant 0 : index
    %get3A_2 = vector.load %arg2[%get3A, %get3A_0, %get3A_1] : memref<1x1024x3xf32, #tpu.memory_space<vmem>>, vector<1x1024x3xf32>
    %get3A_3 = vector.shape_cast %get3A_2 : vector<1x1024x3xf32> to vector<1024x3xf32>
    %get3A_4 = arith.constant 0 : index
    %get3A_5 = arith.constant 0 : index
    %get3A_6 = arith.constant 0 : index
    %get3A_7 = vector.load %arg3[%get3A_4, %get3A_5, %get3A_6] : memref<1x3x2048xf32, #tpu.memory_space<vmem>>, vector<1x3x2048xf32>
    %get3A_8 = vector.shape_cast %get3A_7 : vector<1x3x2048xf32> to vector<3x2048xf32>
    %get3A_9 = arith.constant 0 : index
    %get3A_10 = arith.constant 0 : index
    %get3A_11 = arith.constant 0 : index
    %get3A_12 = vector.load %arg4[%get3A_9, %get3A_10, %get3A_11] : memref<1x1x2048xf32, #tpu.memory_space<vmem>>, vector<1x1x2048xf32>
    %get3A_13 = vector.shape_cast %get3A_12 : vector<1x1x2048xf32> to vector<1x2048xf32>
    %get3A_14 = arith.constant 0 : index
    %get3A_15 = arith.constant 0 : index
    %get3A_16 = arith.constant 0 : index
    %get3A_17 = vector.load %arg5[%get3A_14, %get3A_15, %get3A_16] : memref<1x1x1024xf32, #tpu.memory_space<vmem>>, vector<1x1x1024xf32>
    %get3A_18 = vector.shape_cast %get3A_17 : vector<1x1x1024xf32> to vector<1x1024xf32>
    %get3A_19 = arith.constant 0 : index
    %get3A_20 = arith.constant 0 : index
    %get3A_21 = vector.load %arg6[%get3A_19, %get3A_20] : memref<12x13xf32, #tpu.memory_space<vmem>>, vector<12x13xf32>
    %broadcast_in_dim3A = arith.constant 0.000000e+00 : f32
    %broadcast_in_dim3A_22 = vector.broadcast %broadcast_in_dim3A : f32 to vector<12x2048xf32>
    %slice3A = vector.extract_strided_slice %get3A_21 {offsets = [0, 0], sizes = [12, 1], strides = [1, 1]} : vector<12x13xf32> to vector<12x1xf32>
    %eq3A = arith.constant 0.000000e+00 : f32
    %eq3A_23 = vector.broadcast %eq3A : f32 to vector<1x2048xf32>
    %eq3A_24 = arith.cmpf oeq, %get3A_13, %eq3A_23 : vector<1x2048xf32>
    %convert_element_type3A = arith.extui %eq3A_24 : vector<1x2048xi1> to vector<1x2048xi32>
    %convert_element_type3A_25 = arith.sitofp %convert_element_type3A : vector<1x2048xi32> to vector<1x2048xf32>
    %mul3A = vector.broadcast %slice3A : vector<12x1xf32> to vector<12x2048xf32>
    %mul3A_26 = vector.broadcast %convert_element_type3A_25 : vector<1x2048xf32> to vector<12x2048xf32>
    %mul3A_27 = arith.mulf %mul3A, %mul3A_26 : vector<12x2048xf32>
    %add3A = arith.addf %broadcast_in_dim3A_22, %mul3A_27 : vector<12x2048xf32>
    %slice3A_28 = vector.extract_strided_slice %get3A_21 {offsets = [0, 1], sizes = [12, 1], strides = [1, 1]} : vector<12x13xf32> to vector<12x1xf32>
    %eq3A_29 = arith.constant 1.000000e+00 : f32
    %eq3A_30 = vector.broadcast %eq3A_29 : f32 to vector<1x2048xf32>
    %eq3A_31 = arith.cmpf oeq, %get3A_13, %eq3A_30 : vector<1x2048xf32>
    %convert_element_type3A_32 = arith.extui %eq3A_31 : vector<1x2048xi1> to vector<1x2048xi32>
    %convert_element_type3A_33 = arith.sitofp %convert_element_type3A_32 : vector<1x2048xi32> to vector<1x2048xf32>
    %mul3A_34 = vector.broadcast %slice3A_28 : vector<12x1xf32> to vector<12x2048xf32>
    %mul3A_35 = vector.broadcast %convert_element_type3A_33 : vector<1x2048xf32> to vector<12x2048xf32>
    %mul3A_36 = arith.mulf %mul3A_34, %mul3A_35 : vector<12x2048xf32>
    %add3A_37 = arith.addf %add3A, %mul3A_36 : vector<12x2048xf32>
    %slice3A_38 = vector.extract_strided_slice %get3A_21 {offsets = [0, 2], sizes = [12, 1], strides = [1, 1]} : vector<12x13xf32> to vector<12x1xf32>
    %eq3A_39 = arith.constant 2.000000e+00 : f32
    %eq3A_40 = vector.broadcast %eq3A_39 : f32 to vector<1x2048xf32>
    %eq3A_41 = arith.cmpf oeq, %get3A_13, %eq3A_40 : vector<1x2048xf32>
    %convert_element_type3A_42 = arith.extui %eq3A_41 : vector<1x2048xi1> to vector<1x2048xi32>
    %convert_element_type3A_43 = arith.sitofp %convert_element_type3A_42 : vector<1x2048xi32> to vector<1x2048xf32>
    %mul3A_44 = vector.broadcast %slice3A_38 : vector<12x1xf32> to vector<12x2048xf32>
    %mul3A_45 = vector.broadcast %convert_element_type3A_43 : vector<1x2048xf32> to vector<12x2048xf32>
    %mul3A_46 = arith.mulf %mul3A_44, %mul3A_45 : vector<12x2048xf32>
    %add3A_47 = arith.addf %add3A_37, %mul3A_46 : vector<12x2048xf32>
    %slice3A_48 = vector.extract_strided_slice %get3A_21 {offsets = [0, 3], sizes = [12, 1], strides = [1, 1]} : vector<12x13xf32> to vector<12x1xf32>
    %eq3A_49 = arith.constant 3.000000e+00 : f32
    %eq3A_50 = vector.broadcast %eq3A_49 : f32 to vector<1x2048xf32>
    %eq3A_51 = arith.cmpf oeq, %get3A_13, %eq3A_50 : vector<1x2048xf32>
    %convert_element_type3A_52 = arith.extui %eq3A_51 : vector<1x2048xi1> to vector<1x2048xi32>
    %convert_element_type3A_53 = arith.sitofp %convert_element_type3A_52 : vector<1x2048xi32> to vector<1x2048xf32>
    %mul3A_54 = vector.broadcast %slice3A_48 : vector<12x1xf32> to vector<12x2048xf32>
    %mul3A_55 = vector.broadcast %convert_element_type3A_53 : vector<1x2048xf32> to vector<12x2048xf32>
    %mul3A_56 = arith.mulf %mul3A_54, %mul3A_55 : vector<12x2048xf32>
    %add3A_57 = arith.addf %add3A_47, %mul3A_56 : vector<12x2048xf32>
    %slice3A_58 = vector.extract_strided_slice %get3A_21 {offsets = [0, 4], sizes = [12, 1], strides = [1, 1]} : vector<12x13xf32> to vector<12x1xf32>
    %eq3A_59 = arith.constant 4.000000e+00 : f32
    %eq3A_60 = vector.broadcast %eq3A_59 : f32 to vector<1x2048xf32>
    %eq3A_61 = arith.cmpf oeq, %get3A_13, %eq3A_60 : vector<1x2048xf32>
    %convert_element_type3A_62 = arith.extui %eq3A_61 : vector<1x2048xi1> to vector<1x2048xi32>
    %convert_element_type3A_63 = arith.sitofp %convert_element_type3A_62 : vector<1x2048xi32> to vector<1x2048xf32>
    %mul3A_64 = vector.broadcast %slice3A_58 : vector<12x1xf32> to vector<12x2048xf32>
    %mul3A_65 = vector.broadcast %convert_element_type3A_63 : vector<1x2048xf32> to vector<12x2048xf32>
    %mul3A_66 = arith.mulf %mul3A_64, %mul3A_65 : vector<12x2048xf32>
    %add3A_67 = arith.addf %add3A_57, %mul3A_66 : vector<12x2048xf32>
    %slice3A_68 = vector.extract_strided_slice %get3A_21 {offsets = [0, 5], sizes = [12, 1], strides = [1, 1]} : vector<12x13xf32> to vector<12x1xf32>
    %eq3A_69 = arith.constant 5.000000e+00 : f32
    %eq3A_70 = vector.broadcast %eq3A_69 : f32 to vector<1x2048xf32>
    %eq3A_71 = arith.cmpf oeq, %get3A_13, %eq3A_70 : vector<1x2048xf32>
    %convert_element_type3A_72 = arith.extui %eq3A_71 : vector<1x2048xi1> to vector<1x2048xi32>
    %convert_element_type3A_73 = arith.sitofp %convert_element_type3A_72 : vector<1x2048xi32> to vector<1x2048xf32>
    %mul3A_74 = vector.broadcast %slice3A_68 : vector<12x1xf32> to vector<12x2048xf32>
    %mul3A_75 = vector.broadcast %convert_element_type3A_73 : vector<1x2048xf32> to vector<12x2048xf32>
    %mul3A_76 = arith.mulf %mul3A_74, %mul3A_75 : vector<12x2048xf32>
    %add3A_77 = arith.addf %add3A_67, %mul3A_76 : vector<12x2048xf32>
    %slice3A_78 = vector.extract_strided_slice %get3A_21 {offsets = [0, 6], sizes = [12, 1], strides = [1, 1]} : vector<12x13xf32> to vector<12x1xf32>
    %eq3A_79 = arith.constant 6.000000e+00 : f32
    %eq3A_80 = vector.broadcast %eq3A_79 : f32 to vector<1x2048xf32>
    %eq3A_81 = arith.cmpf oeq, %get3A_13, %eq3A_80 : vector<1x2048xf32>
    %convert_element_type3A_82 = arith.extui %eq3A_81 : vector<1x2048xi1> to vector<1x2048xi32>
    %convert_element_type3A_83 = arith.sitofp %convert_element_type3A_82 : vector<1x2048xi32> to vector<1x2048xf32>
    %mul3A_84 = vector.broadcast %slice3A_78 : vector<12x1xf32> to vector<12x2048xf32>
    %mul3A_85 = vector.broadcast %convert_element_type3A_83 : vector<1x2048xf32> to vector<12x2048xf32>
    %mul3A_86 = arith.mulf %mul3A_84, %mul3A_85 : vector<12x2048xf32>
    %add3A_87 = arith.addf %add3A_77, %mul3A_86 : vector<12x2048xf32>
    %slice3A_88 = vector.extract_strided_slice %get3A_21 {offsets = [0, 7], sizes = [12, 1], strides = [1, 1]} : vector<12x13xf32> to vector<12x1xf32>
    %eq3A_89 = arith.constant 7.000000e+00 : f32
    %eq3A_90 = vector.broadcast %eq3A_89 : f32 to vector<1x2048xf32>
    %eq3A_91 = arith.cmpf oeq, %get3A_13, %eq3A_90 : vector<1x2048xf32>
    %convert_element_type3A_92 = arith.extui %eq3A_91 : vector<1x2048xi1> to vector<1x2048xi32>
    %convert_element_type3A_93 = arith.sitofp %convert_element_type3A_92 : vector<1x2048xi32> to vector<1x2048xf32>
    %mul3A_94 = vector.broadcast %slice3A_88 : vector<12x1xf32> to vector<12x2048xf32>
    %mul3A_95 = vector.broadcast %convert_element_type3A_93 : vector<1x2048xf32> to vector<12x2048xf32>
    %mul3A_96 = arith.mulf %mul3A_94, %mul3A_95 : vector<12x2048xf32>
    %add3A_97 = arith.addf %add3A_87, %mul3A_96 : vector<12x2048xf32>
    %slice3A_98 = vector.extract_strided_slice %get3A_21 {offsets = [0, 8], sizes = [12, 1], strides = [1, 1]} : vector<12x13xf32> to vector<12x1xf32>
    %eq3A_99 = arith.constant 8.000000e+00 : f32
    %eq3A_100 = vector.broadcast %eq3A_99 : f32 to vector<1x2048xf32>
    %eq3A_101 = arith.cmpf oeq, %get3A_13, %eq3A_100 : vector<1x2048xf32>
    %convert_element_type3A_102 = arith.extui %eq3A_101 : vector<1x2048xi1> to vector<1x2048xi32>
    %convert_element_type3A_103 = arith.sitofp %convert_element_type3A_102 : vector<1x2048xi32> to vector<1x2048xf32>
    %mul3A_104 = vector.broadcast %slice3A_98 : vector<12x1xf32> to vector<12x2048xf32>
    %mul3A_105 = vector.broadcast %convert_element_type3A_103 : vector<1x2048xf32> to vector<12x2048xf32>
    %mul3A_106 = arith.mulf %mul3A_104, %mul3A_105 : vector<12x2048xf32>
    %add3A_107 = arith.addf %add3A_97, %mul3A_106 : vector<12x2048xf32>
    %slice3A_108 = vector.extract_strided_slice %get3A_21 {offsets = [0, 9], sizes = [12, 1], strides = [1, 1]} : vector<12x13xf32> to vector<12x1xf32>
    %eq3A_109 = arith.constant 9.000000e+00 : f32
    %eq3A_110 = vector.broadcast %eq3A_109 : f32 to vector<1x2048xf32>
    %eq3A_111 = arith.cmpf oeq, %get3A_13, %eq3A_110 : vector<1x2048xf32>
    %convert_element_type3A_112 = arith.extui %eq3A_111 : vector<1x2048xi1> to vector<1x2048xi32>
    %convert_element_type3A_113 = arith.sitofp %convert_element_type3A_112 : vector<1x2048xi32> to vector<1x2048xf32>
    %mul3A_114 = vector.broadcast %slice3A_108 : vector<12x1xf32> to vector<12x2048xf32>
    %mul3A_115 = vector.broadcast %convert_element_type3A_113 : vector<1x2048xf32> to vector<12x2048xf32>
    %mul3A_116 = arith.mulf %mul3A_114, %mul3A_115 : vector<12x2048xf32>
    %add3A_117 = arith.addf %add3A_107, %mul3A_116 : vector<12x2048xf32>
    %slice3A_118 = vector.extract_strided_slice %get3A_21 {offsets = [0, 10], sizes = [12, 1], strides = [1, 1]} : vector<12x13xf32> to vector<12x1xf32>
    %eq3A_119 = arith.constant 1.000000e+01 : f32
    %eq3A_120 = vector.broadcast %eq3A_119 : f32 to vector<1x2048xf32>
    %eq3A_121 = arith.cmpf oeq, %get3A_13, %eq3A_120 : vector<1x2048xf32>
    %convert_element_type3A_122 = arith.extui %eq3A_121 : vector<1x2048xi1> to vector<1x2048xi32>
    %convert_element_type3A_123 = arith.sitofp %convert_element_type3A_122 : vector<1x2048xi32> to vector<1x2048xf32>
    %mul3A_124 = vector.broadcast %slice3A_118 : vector<12x1xf32> to vector<12x2048xf32>
    %mul3A_125 = vector.broadcast %convert_element_type3A_123 : vector<1x2048xf32> to vector<12x2048xf32>
    %mul3A_126 = arith.mulf %mul3A_124, %mul3A_125 : vector<12x2048xf32>
    %add3A_127 = arith.addf %add3A_117, %mul3A_126 : vector<12x2048xf32>
    %slice3A_128 = vector.extract_strided_slice %get3A_21 {offsets = [0, 11], sizes = [12, 1], strides = [1, 1]} : vector<12x13xf32> to vector<12x1xf32>
    %eq3A_129 = arith.constant 1.100000e+01 : f32
    %eq3A_130 = vector.broadcast %eq3A_129 : f32 to vector<1x2048xf32>
    %eq3A_131 = arith.cmpf oeq, %get3A_13, %eq3A_130 : vector<1x2048xf32>
    %convert_element_type3A_132 = arith.extui %eq3A_131 : vector<1x2048xi1> to vector<1x2048xi32>
    %convert_element_type3A_133 = arith.sitofp %convert_element_type3A_132 : vector<1x2048xi32> to vector<1x2048xf32>
    %mul3A_134 = vector.broadcast %slice3A_128 : vector<12x1xf32> to vector<12x2048xf32>
    %mul3A_135 = vector.broadcast %convert_element_type3A_133 : vector<1x2048xf32> to vector<12x2048xf32>
    %mul3A_136 = arith.mulf %mul3A_134, %mul3A_135 : vector<12x2048xf32>
    %add3A_137 = arith.addf %add3A_127, %mul3A_136 : vector<12x2048xf32>
    %slice3A_138 = vector.extract_strided_slice %get3A_21 {offsets = [0, 12], sizes = [12, 1], strides = [1, 1]} : vector<12x13xf32> to vector<12x1xf32>
    %eq3A_139 = arith.constant 1.200000e+01 : f32
    %eq3A_140 = vector.broadcast %eq3A_139 : f32 to vector<1x2048xf32>
    %eq3A_141 = arith.cmpf oeq, %get3A_13, %eq3A_140 : vector<1x2048xf32>
    %convert_element_type3A_142 = arith.extui %eq3A_141 : vector<1x2048xi1> to vector<1x2048xi32>
    %convert_element_type3A_143 = arith.sitofp %convert_element_type3A_142 : vector<1x2048xi32> to vector<1x2048xf32>
    %mul3A_144 = vector.broadcast %slice3A_138 : vector<12x1xf32> to vector<12x2048xf32>
    %mul3A_145 = vector.broadcast %convert_element_type3A_143 : vector<1x2048xf32> to vector<12x2048xf32>
    %mul3A_146 = arith.mulf %mul3A_144, %mul3A_145 : vector<12x2048xf32>
    %add3A_147 = arith.addf %add3A_137, %mul3A_146 : vector<12x2048xf32>
    %mul3A_148 = arith.mulf %get3A_3, %get3A_3 : vector<1024x3xf32>
    %reduce_sum3A = arith.constant dense<0.000000e+00> : vector<1024xf32>
    %reduce_sum3A_149 = vector.multi_reduction <add>, %mul3A_148, %reduce_sum3A [1] : vector<1024x3xf32> to vector<1024xf32>
    %broadcast_in_dim3A_150 = vector.shape_cast %reduce_sum3A_149 : vector<1024xf32> to vector<1024x1xf32>
    %mul3A_151 = arith.mulf %get3A_8, %get3A_8 : vector<3x2048xf32>
    %reduce_sum3A_152 = arith.constant dense<0.000000e+00> : vector<2048xf32>
    %reduce_sum3A_153 = vector.multi_reduction <add>, %mul3A_151, %reduce_sum3A_152 [0] : vector<3x2048xf32> to vector<2048xf32>
    %broadcast_in_dim3A_154 = vector.shape_cast %reduce_sum3A_153 : vector<2048xf32> to vector<1x2048xf32>
    %dot_general3A = arith.constant dense<0.000000e+00> : vector<1024x2048xf32>
    %dot_general3A_155 = tpu.matmul %get3A_3, %get3A_8, %dot_general3A {dimension_numbers = #tpu.dot_dimension_numbers<[1], [0], [0], [1], [0, 0, 1, 1], [], []>, transpose_lhs_hint = false} : vector<1024x3xf32>, vector<3x2048xf32>, vector<1024x2048xf32> -> vector<1024x2048xf32>
    %add3A_156 = vector.broadcast %broadcast_in_dim3A_150 : vector<1024x1xf32> to vector<1024x2048xf32>
    %add3A_157 = vector.broadcast %broadcast_in_dim3A_154 : vector<1x2048xf32> to vector<1024x2048xf32>
    %add3A_158 = arith.addf %add3A_156, %add3A_157 : vector<1024x2048xf32>
    %mul3A_159 = arith.constant 2.000000e+00 : f32
    %mul3A_160 = vector.broadcast %mul3A_159 : f32 to vector<1024x2048xf32>
    %mul3A_161 = arith.mulf %mul3A_160, %dot_general3A_155 : vector<1024x2048xf32>
    %sub3A = arith.subf %add3A_158, %mul3A_161 : vector<1024x2048xf32>
    %max3A = arith.constant 0.000000e+00 : f32
    %max3A_162 = vector.broadcast %max3A : f32 to vector<1024x2048xf32>
    %max3A_163 = arith.maximumf %sub3A, %max3A_162 : vector<1024x2048xf32>
    %iota3A = tpu.iota {dimensions = array<i32: 1>} : vector<1024x2048xi32>
    %convert_element_type3A_164 = arith.sitofp %iota3A : vector<1024x2048xi32> to vector<1024x2048xf32>
    %reduce_min3A = arith.constant dense<0x7F800000> : vector<1024xf32>
    %reduce_min3A_165 = vector.multi_reduction <minimumf>, %max3A_163, %reduce_min3A [1] : vector<1024x2048xf32> to vector<1024xf32>
    %broadcast_in_dim3A_166 = vector.shape_cast %reduce_min3A_165 : vector<1024xf32> to vector<1024x1xf32>
    %eq3A_167 = vector.broadcast %broadcast_in_dim3A_166 : vector<1024x1xf32> to vector<1024x2048xf32>
    %eq3A_168 = arith.cmpf oeq, %max3A_163, %eq3A_167 : vector<1024x2048xf32>
    %jit3A = arith.constant 2.048000e+03 : f32
    %broadcast_in_dim3A_169 = vector.broadcast %jit3A : f32 to vector<1024x2048xf32>
    %select_n3A = arith.select %eq3A_168, %convert_element_type3A_164, %broadcast_in_dim3A_169 : vector<1024x2048xi1>, vector<1024x2048xf32>
    %reduce_min3A_170 = arith.constant dense<0x7F800000> : vector<1024xf32>
    %reduce_min3A_171 = vector.multi_reduction <minimumf>, %select_n3A, %reduce_min3A_170 [1] : vector<1024x2048xf32> to vector<1024xf32>
    %broadcast_in_dim3A_172 = vector.shape_cast %reduce_min3A_171 : vector<1024xf32> to vector<1024x1xf32>
    %eq3A_173 = vector.broadcast %broadcast_in_dim3A_172 : vector<1024x1xf32> to vector<1024x2048xf32>
    %eq3A_174 = arith.cmpf oeq, %convert_element_type3A_164, %eq3A_173 : vector<1024x2048xf32>
    %convert_element_type3A_175 = arith.extui %eq3A_174 : vector<1024x2048xi1> to vector<1024x2048xi32>
    %convert_element_type3A_176 = arith.sitofp %convert_element_type3A_175 : vector<1024x2048xi32> to vector<1024x2048xf32>
    %dot_general3A_177 = arith.constant dense<0.000000e+00> : vector<1024x12xf32>
    %dot_general3A_178 = tpu.matmul %convert_element_type3A_176, %add3A_147, %dot_general3A_177 {dimension_numbers = #tpu.dot_dimension_numbers<[1], [1], [0], [0], [0, 0, 1, 0], [], []>, transpose_lhs_hint = false} : vector<1024x2048xf32>, vector<12x2048xf32>, vector<1024x12xf32> -> vector<1024x12xf32>
    %jit3A_179 = arith.constant 1.000000e+30 : f32
    %broadcast_in_dim3A_180 = vector.broadcast %jit3A_179 : f32 to vector<1024x2048xf32>
    %select_n3A_181 = arith.select %eq3A_174, %broadcast_in_dim3A_180, %max3A_163 : vector<1024x2048xi1>, vector<1024x2048xf32>
    %add3A_182 = arith.constant 1.000000e-10 : f32
    %add3A_183 = vector.broadcast %add3A_182 : f32 to vector<1024x1xf32>
    %add3A_184 = arith.addf %broadcast_in_dim3A_166, %add3A_183 : vector<1024x1xf32>
    %sqrt3A = math.sqrt %add3A_184 : vector<1024x1xf32>
    %reduce_min3A_185 = arith.constant dense<0x7F800000> : vector<1024xf32>
    %reduce_min3A_186 = vector.multi_reduction <minimumf>, %select_n3A_181, %reduce_min3A_185 [1] : vector<1024x2048xf32> to vector<1024xf32>
    %broadcast_in_dim3A_187 = vector.shape_cast %reduce_min3A_186 : vector<1024xf32> to vector<1024x1xf32>
    %eq3A_188 = vector.broadcast %broadcast_in_dim3A_187 : vector<1024x1xf32> to vector<1024x2048xf32>
    %eq3A_189 = arith.cmpf oeq, %select_n3A_181, %eq3A_188 : vector<1024x2048xf32>
    %jit3A_190 = arith.constant 2.048000e+03 : f32
    %broadcast_in_dim3A_191 = vector.broadcast %jit3A_190 : f32 to vector<1024x2048xf32>
    %select_n3A_192 = arith.select %eq3A_189, %convert_element_type3A_164, %broadcast_in_dim3A_191 : vector<1024x2048xi1>, vector<1024x2048xf32>
    %reduce_min3A_193 = arith.constant dense<0x7F800000> : vector<1024xf32>
    %reduce_min3A_194 = vector.multi_reduction <minimumf>, %select_n3A_192, %reduce_min3A_193 [1] : vector<1024x2048xf32> to vector<1024xf32>
    %broadcast_in_dim3A_195 = vector.shape_cast %reduce_min3A_194 : vector<1024xf32> to vector<1024x1xf32>
    %eq3A_196 = vector.broadcast %broadcast_in_dim3A_195 : vector<1024x1xf32> to vector<1024x2048xf32>
    %eq3A_197 = arith.cmpf oeq, %convert_element_type3A_164, %eq3A_196 : vector<1024x2048xf32>
    %convert_element_type3A_198 = arith.extui %eq3A_197 : vector<1024x2048xi1> to vector<1024x2048xi32>
    %convert_element_type3A_199 = arith.sitofp %convert_element_type3A_198 : vector<1024x2048xi32> to vector<1024x2048xf32>
    %dot_general3A_200 = arith.constant dense<0.000000e+00> : vector<1024x12xf32>
    %dot_general3A_201 = tpu.matmul %convert_element_type3A_199, %add3A_147, %dot_general3A_200 {dimension_numbers = #tpu.dot_dimension_numbers<[1], [1], [0], [0], [0, 0, 1, 0], [], []>, transpose_lhs_hint = false} : vector<1024x2048xf32>, vector<12x2048xf32>, vector<1024x12xf32> -> vector<1024x12xf32>
    %jit3A_202 = arith.constant 1.000000e+30 : f32
    %broadcast_in_dim3A_203 = vector.broadcast %jit3A_202 : f32 to vector<1024x2048xf32>
    %select_n3A_204 = arith.select %eq3A_197, %broadcast_in_dim3A_203, %select_n3A_181 : vector<1024x2048xi1>, vector<1024x2048xf32>
    %add3A_205 = arith.constant 1.000000e-10 : f32
    %add3A_206 = vector.broadcast %add3A_205 : f32 to vector<1024x1xf32>
    %add3A_207 = arith.addf %broadcast_in_dim3A_187, %add3A_206 : vector<1024x1xf32>
    %sqrt3A_208 = math.sqrt %add3A_207 : vector<1024x1xf32>
    %reduce_min3A_209 = arith.constant dense<0x7F800000> : vector<1024xf32>
    %reduce_min3A_210 = vector.multi_reduction <minimumf>, %select_n3A_204, %reduce_min3A_209 [1] : vector<1024x2048xf32> to vector<1024xf32>
    %broadcast_in_dim3A_211 = vector.shape_cast %reduce_min3A_210 : vector<1024xf32> to vector<1024x1xf32>
    %eq3A_212 = vector.broadcast %broadcast_in_dim3A_211 : vector<1024x1xf32> to vector<1024x2048xf32>
    %eq3A_213 = arith.cmpf oeq, %select_n3A_204, %eq3A_212 : vector<1024x2048xf32>
    %jit3A_214 = arith.constant 2.048000e+03 : f32
    %broadcast_in_dim3A_215 = vector.broadcast %jit3A_214 : f32 to vector<1024x2048xf32>
    %select_n3A_216 = arith.select %eq3A_213, %convert_element_type3A_164, %broadcast_in_dim3A_215 : vector<1024x2048xi1>, vector<1024x2048xf32>
    %reduce_min3A_217 = arith.constant dense<0x7F800000> : vector<1024xf32>
    %reduce_min3A_218 = vector.multi_reduction <minimumf>, %select_n3A_216, %reduce_min3A_217 [1] : vector<1024x2048xf32> to vector<1024xf32>
    %broadcast_in_dim3A_219 = vector.shape_cast %reduce_min3A_218 : vector<1024xf32> to vector<1024x1xf32>
    %eq3A_220 = vector.broadcast %broadcast_in_dim3A_219 : vector<1024x1xf32> to vector<1024x2048xf32>
    %eq3A_221 = arith.cmpf oeq, %convert_element_type3A_164, %eq3A_220 : vector<1024x2048xf32>
    %convert_element_type3A_222 = arith.extui %eq3A_221 : vector<1024x2048xi1> to vector<1024x2048xi32>
    %convert_element_type3A_223 = arith.sitofp %convert_element_type3A_222 : vector<1024x2048xi32> to vector<1024x2048xf32>
    %dot_general3A_224 = arith.constant dense<0.000000e+00> : vector<1024x12xf32>
    %dot_general3A_225 = tpu.matmul %convert_element_type3A_223, %add3A_147, %dot_general3A_224 {dimension_numbers = #tpu.dot_dimension_numbers<[1], [1], [0], [0], [0, 0, 1, 0], [], []>, transpose_lhs_hint = false} : vector<1024x2048xf32>, vector<12x2048xf32>, vector<1024x12xf32> -> vector<1024x12xf32>
    %jit3A_226 = arith.constant 1.000000e+30 : f32
    %broadcast_in_dim3A_227 = vector.broadcast %jit3A_226 : f32 to vector<1024x2048xf32>
    %select_n3A_228 = arith.select %eq3A_221, %broadcast_in_dim3A_227, %select_n3A_204 : vector<1024x2048xi1>, vector<1024x2048xf32>
    %add3A_229 = arith.constant 1.000000e-10 : f32
    %add3A_230 = vector.broadcast %add3A_229 : f32 to vector<1024x1xf32>
    %add3A_231 = arith.addf %broadcast_in_dim3A_211, %add3A_230 : vector<1024x1xf32>
    %sqrt3A_232 = math.sqrt %add3A_231 : vector<1024x1xf32>
    %reduce_min3A_233 = arith.constant dense<0x7F800000> : vector<1024xf32>
    %reduce_min3A_234 = vector.multi_reduction <minimumf>, %select_n3A_228, %reduce_min3A_233 [1] : vector<1024x2048xf32> to vector<1024xf32>
    %broadcast_in_dim3A_235 = vector.shape_cast %reduce_min3A_234 : vector<1024xf32> to vector<1024x1xf32>
    %eq3A_236 = vector.broadcast %broadcast_in_dim3A_235 : vector<1024x1xf32> to vector<1024x2048xf32>
    %eq3A_237 = arith.cmpf oeq, %select_n3A_228, %eq3A_236 : vector<1024x2048xf32>
    %jit3A_238 = arith.constant 2.048000e+03 : f32
    %broadcast_in_dim3A_239 = vector.broadcast %jit3A_238 : f32 to vector<1024x2048xf32>
    %select_n3A_240 = arith.select %eq3A_237, %convert_element_type3A_164, %broadcast_in_dim3A_239 : vector<1024x2048xi1>, vector<1024x2048xf32>
    %reduce_min3A_241 = arith.constant dense<0x7F800000> : vector<1024xf32>
    %reduce_min3A_242 = vector.multi_reduction <minimumf>, %select_n3A_240, %reduce_min3A_241 [1] : vector<1024x2048xf32> to vector<1024xf32>
    %broadcast_in_dim3A_243 = vector.shape_cast %reduce_min3A_242 : vector<1024xf32> to vector<1024x1xf32>
    %eq3A_244 = vector.broadcast %broadcast_in_dim3A_243 : vector<1024x1xf32> to vector<1024x2048xf32>
    %eq3A_245 = arith.cmpf oeq, %convert_element_type3A_164, %eq3A_244 : vector<1024x2048xf32>
    %convert_element_type3A_246 = arith.extui %eq3A_245 : vector<1024x2048xi1> to vector<1024x2048xi32>
    %convert_element_type3A_247 = arith.sitofp %convert_element_type3A_246 : vector<1024x2048xi32> to vector<1024x2048xf32>
    %dot_general3A_248 = arith.constant dense<0.000000e+00> : vector<1024x12xf32>
    %dot_general3A_249 = tpu.matmul %convert_element_type3A_247, %add3A_147, %dot_general3A_248 {dimension_numbers = #tpu.dot_dimension_numbers<[1], [1], [0], [0], [0, 0, 1, 0], [], []>, transpose_lhs_hint = false} : vector<1024x2048xf32>, vector<12x2048xf32>, vector<1024x12xf32> -> vector<1024x12xf32>
    %add3A_250 = arith.constant 1.000000e-10 : f32
    %add3A_251 = vector.broadcast %add3A_250 : f32 to vector<1024x1xf32>
    %add3A_252 = arith.addf %broadcast_in_dim3A_235, %add3A_251 : vector<1024x1xf32>
    %sqrt3A_253 = math.sqrt %add3A_252 : vector<1024x1xf32>
    %broadcast_in_dim3A_254 = arith.constant 0.000000e+00 : f32
    %broadcast_in_dim3A_255 = vector.broadcast %broadcast_in_dim3A_254 : f32 to vector<1024x76xf32>
    %concatenate3A = tpu.concatenate %sqrt3A, %dot_general3A_178, %sqrt3A_208, %dot_general3A_201, %sqrt3A_232, %dot_general3A_225, %sqrt3A_253, %dot_general3A_249, %broadcast_in_dim3A_255 in 1 : vector<1024x1xf32>, vector<1024x12xf32>, vector<1024x1xf32>, vector<1024x12xf32>, vector<1024x1xf32>, vector<1024x12xf32>, vector<1024x1xf32>, vector<1024x12xf32>, vector<1024x76xf32> -> vector<1024x128xf32>
    %broadcast_in_dim3A_256 = vector.shape_cast %concatenate3A : vector<1024x128xf32> to vector<1x1024x128xf32>
    %swap3A = arith.constant 0 : index
    %swap3A_257 = arith.constant 0 : index
    %swap3A_258 = arith.constant 0 : index
    %swap3A_259 = vector.load %arg7[%swap3A, %swap3A_257, %swap3A_258] : memref<1x1024x128xf32, #tpu.memory_space<vmem>>, vector<1x1024x128xf32>
    tpu.vector_store %arg7[%swap3A, %swap3A_257, %swap3A_258], %broadcast_in_dim3A_256 {strides = array<i32>} : memref<1x1024x128xf32, #tpu.memory_space<vmem>>, vector<1x1024x128xf32>,
    %convert_element_type3A_260 = arith.sitofp %arg0 : i32 to f32
    %mul3A_261 = arith.constant 1.024000e+03 : f32
    %mul3A_262 = arith.mulf %mul3A_261, %convert_element_type3A_260 : f32
    %add3A_263 = vector.broadcast %mul3A_262 : f32 to vector<1x1024xf32>
    %add3A_264 = arith.addf %get3A_18, %add3A_263 : vector<1x1024xf32>
    %broadcast_in_dim3A_265 = vector.shape_cast %add3A_264 : vector<1x1024xf32> to vector<1x1x1024xf32>
    %convert_element_type3A_266 = arith.fptosi %broadcast_in_dim3A_265 : vector<1x1x1024xf32> to vector<1x1x1024xi32>
    %swap3A_267 = arith.constant 0 : index
    %swap3A_268 = arith.constant 0 : index
    %swap3A_269 = arith.constant 0 : index
    %swap3A_270 = vector.load %arg8[%swap3A_267, %swap3A_268, %swap3A_269] : memref<1x1x1024xi32, #tpu.memory_space<vmem>>, vector<1x1x1024xi32>
    tpu.vector_store %arg8[%swap3A_267, %swap3A_268, %swap3A_269], %convert_element_type3A_266 {strides = array<i32>} : memref<1x1x1024xi32, #tpu.memory_space<vmem>>, vector<1x1x1024xi32>,
    return
  }
  func.func @transform_0(%arg0: i32, %arg1: i32) -> (i32, i32, i32) {
    %c0_i32 = arith.constant 0 : i32
    %c0_i32_0 = arith.constant 0 : i32
    return %arg0, %arg1, %c0_i32 : i32, i32, i32
  }
  func.func @transform_1(%arg0: i32, %arg1: i32) -> (i32, i32, i32) {
    %c0_i32 = arith.constant 0 : i32
    %c0_i32_0 = arith.constant 0 : i32
    %c0_i32_1 = arith.constant 0 : i32
    return %arg0, %c0_i32, %c0_i32_0 : i32, i32, i32
  }
  func.func @transform_2(%arg0: i32, %arg1: i32) -> (i32, i32, i32) {
    %c0_i32 = arith.constant 0 : i32
    %c0_i32_0 = arith.constant 0 : i32
    %c0_i32_1 = arith.constant 0 : i32
    return %arg0, %c0_i32, %c0_i32_0 : i32, i32, i32
  }
  func.func @transform_3(%arg0: i32, %arg1: i32) -> (i32, i32, i32) {
    %c0_i32 = arith.constant 0 : i32
    %c0_i32_0 = arith.constant 0 : i32
    return %arg0, %c0_i32, %arg1 : i32, i32, i32
  }
  func.func @transform_4(%arg0: i32, %arg1: i32) -> (i32, i32) {
    %c0_i32 = arith.constant 0 : i32
    %c0_i32_0 = arith.constant 0 : i32
    %c0_i32_1 = arith.constant 0 : i32
    return %c0_i32, %c0_i32_0 : i32, i32
  }
  func.func @transform_5(%arg0: i32, %arg1: i32) -> (i32, i32, i32) {
    %c0_i32 = arith.constant 0 : i32
    %c0_i32_0 = arith.constant 0 : i32
    return %arg0, %arg1, %c0_i32 : i32, i32, i32
  }
  func.func @transform_6(%arg0: i32, %arg1: i32) -> (i32, i32, i32) {
    %c0_i32 = arith.constant 0 : i32
    %c0_i32_0 = arith.constant 0 : i32
    return %arg0, %c0_i32, %arg1 : i32, i32, i32
  }
}

module attributes {stable_mosaic.version = 14 : i64} {
  func.func @_res_kernel(%arg0: i32, %arg1: i32, %arg2: memref<1x1024x3xf32, #tpu.memory_space<vmem>>, %arg3: memref<1x3x1024xf32, #tpu.memory_space<vmem>>, %arg4: memref<1x1024x20xf32, #tpu.memory_space<vmem>>, %arg5: memref<1x1024x128xf32, #tpu.memory_space<vmem>>, %arg6: memref<20x16xf32, #tpu.memory_space<vmem>>, %arg7: memref<1x16xf32, #tpu.memory_space<vmem>>, %arg8: memref<384x256xf32, #tpu.memory_space<vmem>>, %arg9: memref<1x256xf32, #tpu.memory_space<vmem>>, %arg10: memref<1x256xf32, #tpu.memory_space<vmem>>, %arg11: memref<1x256xf32, #tpu.memory_space<vmem>>, %arg12: memref<256x1xf32, #tpu.memory_space<vmem>>, %arg13: memref<1x1xf32, #tpu.memory_space<vmem>>, %arg14: memref<1x1024x1xf32, #tpu.memory_space<vmem>>) attributes {dimension_semantics = [#tpu.dimension_semantics<arbitrary>, #tpu.dimension_semantics<arbitrary>], iteration_bounds = array<i64: 4, 1>, scalar_prefetch = 0 : i64, scratch_operands = 0 : i64, tpu.core_type = #tpu.core_type<tc>, window_params = [{transform_indices = @transform_0, window_bounds = array<i64: 1, 1024, 3>}, {transform_indices = @transform_1, window_bounds = array<i64: 1, 3, 1024>}, {transform_indices = @transform_2, window_bounds = array<i64: 1, 1024, 20>}, {transform_indices = @transform_3, window_bounds = array<i64: 1, 1024, 128>}, {pipeline_mode = #tpu.pipeline_mode<synchronous>, transform_indices = @transform_4, window_bounds = array<i64: 20, 16>}, {pipeline_mode = #tpu.pipeline_mode<synchronous>, transform_indices = @transform_5, window_bounds = array<i64: 1, 16>}, {pipeline_mode = #tpu.pipeline_mode<synchronous>, transform_indices = @transform_6, window_bounds = array<i64: 384, 256>}, {pipeline_mode = #tpu.pipeline_mode<synchronous>, transform_indices = @transform_7, window_bounds = array<i64: 1, 256>}, {pipeline_mode = #tpu.pipeline_mode<synchronous>, transform_indices = @transform_8, window_bounds = array<i64: 1, 256>}, {pipeline_mode = #tpu.pipeline_mode<synchronous>, transform_indices = @transform_9, window_bounds = array<i64: 1, 256>}, {pipeline_mode = #tpu.pipeline_mode<synchronous>, transform_indices = @transform_10, window_bounds = array<i64: 256, 1>}, {pipeline_mode = #tpu.pipeline_mode<synchronous>, transform_indices = @transform_11, window_bounds = array<i64: 1, 1>}, {transform_indices = @transform_12, window_bounds = array<i64: 1, 1024, 1>}]} {
    %get3A = arith.constant 0 : index
    %get3A_0 = arith.constant 0 : index
    %get3A_1 = arith.constant 0 : index
    %get3A_2 = vector.load %arg2[%get3A, %get3A_0, %get3A_1] : memref<1x1024x3xf32, #tpu.memory_space<vmem>>, vector<1x1024x3xf32>
    %get3A_3 = vector.shape_cast %get3A_2 : vector<1x1024x3xf32> to vector<1024x3xf32>
    %get3A_4 = arith.constant 0 : index
    %get3A_5 = arith.constant 0 : index
    %get3A_6 = arith.constant 0 : index
    %get3A_7 = vector.load %arg3[%get3A_4, %get3A_5, %get3A_6] : memref<1x3x1024xf32, #tpu.memory_space<vmem>>, vector<1x3x1024xf32>
    %get3A_8 = vector.shape_cast %get3A_7 : vector<1x3x1024xf32> to vector<3x1024xf32>
    %get3A_9 = arith.constant 0 : index
    %get3A_10 = arith.constant 0 : index
    %get3A_11 = arith.constant 0 : index
    %get3A_12 = vector.load %arg4[%get3A_9, %get3A_10, %get3A_11] : memref<1x1024x20xf32, #tpu.memory_space<vmem>>, vector<1x1024x20xf32>
    %get3A_13 = vector.shape_cast %get3A_12 : vector<1x1024x20xf32> to vector<1024x20xf32>
    %get3A_14 = arith.constant 0 : index
    %get3A_15 = arith.constant 0 : index
    %get3A_16 = arith.constant 0 : index
    %get3A_17 = vector.load %arg5[%get3A_14, %get3A_15, %get3A_16] : memref<1x1024x128xf32, #tpu.memory_space<vmem>>, vector<1x1024x128xf32>
    %get3A_18 = vector.shape_cast %get3A_17 : vector<1x1024x128xf32> to vector<1024x128xf32>
    %slice3A = vector.extract_strided_slice %get3A_18 {offsets = [0, 0], sizes = [1024, 52], strides = [1, 1]} : vector<1024x128xf32> to vector<1024x52xf32>
    %get3A_19 = arith.constant 0 : index
    %get3A_20 = arith.constant 0 : index
    %get3A_21 = vector.load %arg6[%get3A_19, %get3A_20] : memref<20x16xf32, #tpu.memory_space<vmem>>, vector<20x16xf32>
    %dot_general3A = arith.constant dense<0.000000e+00> : vector<1024x16xf32>
    %dot_general3A_22 = tpu.matmul %get3A_13, %get3A_21, %dot_general3A {dimension_numbers = #tpu.dot_dimension_numbers<[1], [0], [0], [1], [0, 0, 1, 1], [], []>, transpose_lhs_hint = false} : vector<1024x20xf32>, vector<20x16xf32>, vector<1024x16xf32> -> vector<1024x16xf32>
    %get3A_23 = arith.constant 0 : index
    %get3A_24 = arith.constant 0 : index
    %get3A_25 = vector.load %arg7[%get3A_23, %get3A_24] : memref<1x16xf32, #tpu.memory_space<vmem>>, vector<1x16xf32>
    %add3A = vector.broadcast %get3A_25 : vector<1x16xf32> to vector<1024x16xf32>
    %add3A_26 = arith.addf %dot_general3A_22, %add3A : vector<1024x16xf32>
    %concatenate3A = tpu.concatenate %add3A_26, %slice3A in 1 : vector<1024x16xf32>, vector<1024x52xf32> -> vector<1024x68xf32>
    %mul3A = arith.mulf %get3A_3, %get3A_3 : vector<1024x3xf32>
    %reduce_sum3A = arith.constant dense<0.000000e+00> : vector<1024xf32>
    %reduce_sum3A_27 = vector.multi_reduction <add>, %mul3A, %reduce_sum3A [1] : vector<1024x3xf32> to vector<1024xf32>
    %broadcast_in_dim3A = vector.shape_cast %reduce_sum3A_27 : vector<1024xf32> to vector<1024x1xf32>
    %mul3A_28 = arith.mulf %get3A_8, %get3A_8 : vector<3x1024xf32>
    %reduce_sum3A_29 = arith.constant dense<0.000000e+00> : vector<1024xf32>
    %reduce_sum3A_30 = vector.multi_reduction <add>, %mul3A_28, %reduce_sum3A_29 [0] : vector<3x1024xf32> to vector<1024xf32>
    %broadcast_in_dim3A_31 = vector.shape_cast %reduce_sum3A_30 : vector<1024xf32> to vector<1x1024xf32>
    %dot_general3A_32 = arith.constant dense<0.000000e+00> : vector<1024x1024xf32>
    %dot_general3A_33 = tpu.matmul %get3A_3, %get3A_8, %dot_general3A_32 {dimension_numbers = #tpu.dot_dimension_numbers<[1], [0], [0], [1], [0, 0, 1, 1], [], []>, transpose_lhs_hint = false} : vector<1024x3xf32>, vector<3x1024xf32>, vector<1024x1024xf32> -> vector<1024x1024xf32>
    %add3A_34 = vector.broadcast %broadcast_in_dim3A : vector<1024x1xf32> to vector<1024x1024xf32>
    %add3A_35 = vector.broadcast %broadcast_in_dim3A_31 : vector<1x1024xf32> to vector<1024x1024xf32>
    %add3A_36 = arith.addf %add3A_34, %add3A_35 : vector<1024x1024xf32>
    %mul3A_37 = arith.constant 2.000000e+00 : f32
    %mul3A_38 = vector.broadcast %mul3A_37 : f32 to vector<1024x1024xf32>
    %mul3A_39 = arith.mulf %mul3A_38, %dot_general3A_33 : vector<1024x1024xf32>
    %sub3A = arith.subf %add3A_36, %mul3A_39 : vector<1024x1024xf32>
    %max3A = arith.constant 0.000000e+00 : f32
    %max3A_40 = vector.broadcast %max3A : f32 to vector<1024x1024xf32>
    %max3A_41 = arith.maximumf %sub3A, %max3A_40 : vector<1024x1024xf32>
    %iota3A = tpu.iota {dimensions = array<i32: 1>} : vector<1024x1024xi32>
    %convert_element_type3A = arith.sitofp %iota3A : vector<1024x1024xi32> to vector<1024x1024xf32>
    %reduce_min3A = arith.constant dense<0x7F800000> : vector<1024xf32>
    %reduce_min3A_42 = vector.multi_reduction <minimumf>, %max3A_41, %reduce_min3A [1] : vector<1024x1024xf32> to vector<1024xf32>
    %broadcast_in_dim3A_43 = vector.shape_cast %reduce_min3A_42 : vector<1024xf32> to vector<1024x1xf32>
    %eq3A = vector.broadcast %broadcast_in_dim3A_43 : vector<1024x1xf32> to vector<1024x1024xf32>
    %eq3A_44 = arith.cmpf oeq, %max3A_41, %eq3A : vector<1024x1024xf32>
    %jit3A = arith.constant 1.024000e+03 : f32
    %broadcast_in_dim3A_45 = vector.broadcast %jit3A : f32 to vector<1024x1024xf32>
    %select_n3A = arith.select %eq3A_44, %convert_element_type3A, %broadcast_in_dim3A_45 : vector<1024x1024xi1>, vector<1024x1024xf32>
    %reduce_min3A_46 = arith.constant dense<0x7F800000> : vector<1024xf32>
    %reduce_min3A_47 = vector.multi_reduction <minimumf>, %select_n3A, %reduce_min3A_46 [1] : vector<1024x1024xf32> to vector<1024xf32>
    %broadcast_in_dim3A_48 = vector.shape_cast %reduce_min3A_47 : vector<1024xf32> to vector<1024x1xf32>
    %eq3A_49 = vector.broadcast %broadcast_in_dim3A_48 : vector<1024x1xf32> to vector<1024x1024xf32>
    %eq3A_50 = arith.cmpf oeq, %convert_element_type3A, %eq3A_49 : vector<1024x1024xf32>
    %convert_element_type3A_51 = arith.extui %eq3A_50 : vector<1024x1024xi1> to vector<1024x1024xi32>
    %convert_element_type3A_52 = arith.sitofp %convert_element_type3A_51 : vector<1024x1024xi32> to vector<1024x1024xf32>
    %dot_general3A_53 = arith.constant dense<0.000000e+00> : vector<1024x68xf32>
    %dot_general3A_54 = tpu.matmul %convert_element_type3A_52, %concatenate3A, %dot_general3A_53 {dimension_numbers = #tpu.dot_dimension_numbers<[1], [0], [0], [1], [0, 0, 1, 1], [], []>, transpose_lhs_hint = false} : vector<1024x1024xf32>, vector<1024x68xf32>, vector<1024x68xf32> -> vector<1024x68xf32>
    %jit3A_55 = arith.constant 1.000000e+30 : f32
    %broadcast_in_dim3A_56 = vector.broadcast %jit3A_55 : f32 to vector<1024x1024xf32>
    %select_n3A_57 = arith.select %eq3A_50, %broadcast_in_dim3A_56, %max3A_41 : vector<1024x1024xi1>, vector<1024x1024xf32>
    %add3A_58 = arith.constant 1.000000e-10 : f32
    %add3A_59 = vector.broadcast %add3A_58 : f32 to vector<1024x1xf32>
    %add3A_60 = arith.addf %broadcast_in_dim3A_43, %add3A_59 : vector<1024x1xf32>
    %sqrt3A = math.sqrt %add3A_60 : vector<1024x1xf32>
    %reduce_min3A_61 = arith.constant dense<0x7F800000> : vector<1024xf32>
    %reduce_min3A_62 = vector.multi_reduction <minimumf>, %select_n3A_57, %reduce_min3A_61 [1] : vector<1024x1024xf32> to vector<1024xf32>
    %broadcast_in_dim3A_63 = vector.shape_cast %reduce_min3A_62 : vector<1024xf32> to vector<1024x1xf32>
    %eq3A_64 = vector.broadcast %broadcast_in_dim3A_63 : vector<1024x1xf32> to vector<1024x1024xf32>
    %eq3A_65 = arith.cmpf oeq, %select_n3A_57, %eq3A_64 : vector<1024x1024xf32>
    %jit3A_66 = arith.constant 1.024000e+03 : f32
    %broadcast_in_dim3A_67 = vector.broadcast %jit3A_66 : f32 to vector<1024x1024xf32>
    %select_n3A_68 = arith.select %eq3A_65, %convert_element_type3A, %broadcast_in_dim3A_67 : vector<1024x1024xi1>, vector<1024x1024xf32>
    %reduce_min3A_69 = arith.constant dense<0x7F800000> : vector<1024xf32>
    %reduce_min3A_70 = vector.multi_reduction <minimumf>, %select_n3A_68, %reduce_min3A_69 [1] : vector<1024x1024xf32> to vector<1024xf32>
    %broadcast_in_dim3A_71 = vector.shape_cast %reduce_min3A_70 : vector<1024xf32> to vector<1024x1xf32>
    %eq3A_72 = vector.broadcast %broadcast_in_dim3A_71 : vector<1024x1xf32> to vector<1024x1024xf32>
    %eq3A_73 = arith.cmpf oeq, %convert_element_type3A, %eq3A_72 : vector<1024x1024xf32>
    %convert_element_type3A_74 = arith.extui %eq3A_73 : vector<1024x1024xi1> to vector<1024x1024xi32>
    %convert_element_type3A_75 = arith.sitofp %convert_element_type3A_74 : vector<1024x1024xi32> to vector<1024x1024xf32>
    %dot_general3A_76 = arith.constant dense<0.000000e+00> : vector<1024x68xf32>
    %dot_general3A_77 = tpu.matmul %convert_element_type3A_75, %concatenate3A, %dot_general3A_76 {dimension_numbers = #tpu.dot_dimension_numbers<[1], [0], [0], [1], [0, 0, 1, 1], [], []>, transpose_lhs_hint = false} : vector<1024x1024xf32>, vector<1024x68xf32>, vector<1024x68xf32> -> vector<1024x68xf32>
    %jit3A_78 = arith.constant 1.000000e+30 : f32
    %broadcast_in_dim3A_79 = vector.broadcast %jit3A_78 : f32 to vector<1024x1024xf32>
    %select_n3A_80 = arith.select %eq3A_73, %broadcast_in_dim3A_79, %select_n3A_57 : vector<1024x1024xi1>, vector<1024x1024xf32>
    %add3A_81 = arith.constant 1.000000e-10 : f32
    %add3A_82 = vector.broadcast %add3A_81 : f32 to vector<1024x1xf32>
    %add3A_83 = arith.addf %broadcast_in_dim3A_63, %add3A_82 : vector<1024x1xf32>
    %sqrt3A_84 = math.sqrt %add3A_83 : vector<1024x1xf32>
    %reduce_min3A_85 = arith.constant dense<0x7F800000> : vector<1024xf32>
    %reduce_min3A_86 = vector.multi_reduction <minimumf>, %select_n3A_80, %reduce_min3A_85 [1] : vector<1024x1024xf32> to vector<1024xf32>
    %broadcast_in_dim3A_87 = vector.shape_cast %reduce_min3A_86 : vector<1024xf32> to vector<1024x1xf32>
    %eq3A_88 = vector.broadcast %broadcast_in_dim3A_87 : vector<1024x1xf32> to vector<1024x1024xf32>
    %eq3A_89 = arith.cmpf oeq, %select_n3A_80, %eq3A_88 : vector<1024x1024xf32>
    %jit3A_90 = arith.constant 1.024000e+03 : f32
    %broadcast_in_dim3A_91 = vector.broadcast %jit3A_90 : f32 to vector<1024x1024xf32>
    %select_n3A_92 = arith.select %eq3A_89, %convert_element_type3A, %broadcast_in_dim3A_91 : vector<1024x1024xi1>, vector<1024x1024xf32>
    %reduce_min3A_93 = arith.constant dense<0x7F800000> : vector<1024xf32>
    %reduce_min3A_94 = vector.multi_reduction <minimumf>, %select_n3A_92, %reduce_min3A_93 [1] : vector<1024x1024xf32> to vector<1024xf32>
    %broadcast_in_dim3A_95 = vector.shape_cast %reduce_min3A_94 : vector<1024xf32> to vector<1024x1xf32>
    %eq3A_96 = vector.broadcast %broadcast_in_dim3A_95 : vector<1024x1xf32> to vector<1024x1024xf32>
    %eq3A_97 = arith.cmpf oeq, %convert_element_type3A, %eq3A_96 : vector<1024x1024xf32>
    %convert_element_type3A_98 = arith.extui %eq3A_97 : vector<1024x1024xi1> to vector<1024x1024xi32>
    %convert_element_type3A_99 = arith.sitofp %convert_element_type3A_98 : vector<1024x1024xi32> to vector<1024x1024xf32>
    %dot_general3A_100 = arith.constant dense<0.000000e+00> : vector<1024x68xf32>
    %dot_general3A_101 = tpu.matmul %convert_element_type3A_99, %concatenate3A, %dot_general3A_100 {dimension_numbers = #tpu.dot_dimension_numbers<[1], [0], [0], [1], [0, 0, 1, 1], [], []>, transpose_lhs_hint = false} : vector<1024x1024xf32>, vector<1024x68xf32>, vector<1024x68xf32> -> vector<1024x68xf32>
    %jit3A_102 = arith.constant 1.000000e+30 : f32
    %broadcast_in_dim3A_103 = vector.broadcast %jit3A_102 : f32 to vector<1024x1024xf32>
    %select_n3A_104 = arith.select %eq3A_97, %broadcast_in_dim3A_103, %select_n3A_80 : vector<1024x1024xi1>, vector<1024x1024xf32>
    %add3A_105 = arith.constant 1.000000e-10 : f32
    %add3A_106 = vector.broadcast %add3A_105 : f32 to vector<1024x1xf32>
    %add3A_107 = arith.addf %broadcast_in_dim3A_87, %add3A_106 : vector<1024x1xf32>
    %sqrt3A_108 = math.sqrt %add3A_107 : vector<1024x1xf32>
    %reduce_min3A_109 = arith.constant dense<0x7F800000> : vector<1024xf32>
    %reduce_min3A_110 = vector.multi_reduction <minimumf>, %select_n3A_104, %reduce_min3A_109 [1] : vector<1024x1024xf32> to vector<1024xf32>
    %broadcast_in_dim3A_111 = vector.shape_cast %reduce_min3A_110 : vector<1024xf32> to vector<1024x1xf32>
    %eq3A_112 = vector.broadcast %broadcast_in_dim3A_111 : vector<1024x1xf32> to vector<1024x1024xf32>
    %eq3A_113 = arith.cmpf oeq, %select_n3A_104, %eq3A_112 : vector<1024x1024xf32>
    %jit3A_114 = arith.constant 1.024000e+03 : f32
    %broadcast_in_dim3A_115 = vector.broadcast %jit3A_114 : f32 to vector<1024x1024xf32>
    %select_n3A_116 = arith.select %eq3A_113, %convert_element_type3A, %broadcast_in_dim3A_115 : vector<1024x1024xi1>, vector<1024x1024xf32>
    %reduce_min3A_117 = arith.constant dense<0x7F800000> : vector<1024xf32>
    %reduce_min3A_118 = vector.multi_reduction <minimumf>, %select_n3A_116, %reduce_min3A_117 [1] : vector<1024x1024xf32> to vector<1024xf32>
    %broadcast_in_dim3A_119 = vector.shape_cast %reduce_min3A_118 : vector<1024xf32> to vector<1024x1xf32>
    %eq3A_120 = vector.broadcast %broadcast_in_dim3A_119 : vector<1024x1xf32> to vector<1024x1024xf32>
    %eq3A_121 = arith.cmpf oeq, %convert_element_type3A, %eq3A_120 : vector<1024x1024xf32>
    %convert_element_type3A_122 = arith.extui %eq3A_121 : vector<1024x1024xi1> to vector<1024x1024xi32>
    %convert_element_type3A_123 = arith.sitofp %convert_element_type3A_122 : vector<1024x1024xi32> to vector<1024x1024xf32>
    %dot_general3A_124 = arith.constant dense<0.000000e+00> : vector<1024x68xf32>
    %dot_general3A_125 = tpu.matmul %convert_element_type3A_123, %concatenate3A, %dot_general3A_124 {dimension_numbers = #tpu.dot_dimension_numbers<[1], [0], [0], [1], [0, 0, 1, 1], [], []>, transpose_lhs_hint = false} : vector<1024x1024xf32>, vector<1024x68xf32>, vector<1024x68xf32> -> vector<1024x68xf32>
    %add3A_126 = arith.constant 1.000000e-10 : f32
    %add3A_127 = vector.broadcast %add3A_126 : f32 to vector<1024x1xf32>
    %add3A_128 = arith.addf %broadcast_in_dim3A_111, %add3A_127 : vector<1024x1xf32>
    %sqrt3A_129 = math.sqrt %add3A_128 : vector<1024x1xf32>
    %broadcast_in_dim3A_130 = arith.constant 0.000000e+00 : f32
    %broadcast_in_dim3A_131 = vector.broadcast %broadcast_in_dim3A_130 : f32 to vector<1024x108xf32>
    %concatenate3A_132 = tpu.concatenate %sqrt3A, %dot_general3A_54, %sqrt3A_84, %dot_general3A_77, %sqrt3A_108, %dot_general3A_101, %sqrt3A_129, %dot_general3A_125, %broadcast_in_dim3A_131 in 1 : vector<1024x1xf32>, vector<1024x68xf32>, vector<1024x1xf32>, vector<1024x68xf32>, vector<1024x1xf32>, vector<1024x68xf32>, vector<1024x1xf32>, vector<1024x68xf32>, vector<1024x108xf32> -> vector<1024x384xf32>
    %get3A_133 = arith.constant 0 : index
    %get3A_134 = arith.constant 0 : index
    %get3A_135 = vector.load %arg8[%get3A_133, %get3A_134] : memref<384x256xf32, #tpu.memory_space<vmem>>, vector<384x256xf32>
    %dot_general3A_136 = arith.constant dense<0.000000e+00> : vector<1024x256xf32>
    %dot_general3A_137 = tpu.matmul %concatenate3A_132, %get3A_135, %dot_general3A_136 {dimension_numbers = #tpu.dot_dimension_numbers<[1], [0], [0], [1], [0, 0, 1, 1], [], []>, transpose_lhs_hint = false} : vector<1024x384xf32>, vector<384x256xf32>, vector<1024x256xf32> -> vector<1024x256xf32>
    %get3A_138 = arith.constant 0 : index
    %get3A_139 = arith.constant 0 : index
    %get3A_140 = vector.load %arg9[%get3A_138, %get3A_139] : memref<1x256xf32, #tpu.memory_space<vmem>>, vector<1x256xf32>
    %add3A_141 = vector.broadcast %get3A_140 : vector<1x256xf32> to vector<1024x256xf32>
    %add3A_142 = arith.addf %dot_general3A_137, %add3A_141 : vector<1024x256xf32>
    %reduce_sum3A_143 = arith.constant dense<0.000000e+00> : vector<1024xf32>
    %reduce_sum3A_144 = vector.multi_reduction <add>, %add3A_142, %reduce_sum3A_143 [1] : vector<1024x256xf32> to vector<1024xf32>
    %broadcast_in_dim3A_145 = vector.shape_cast %reduce_sum3A_144 : vector<1024xf32> to vector<1024x1xf32>
    %div3A = arith.constant 2.560000e+02 : f32
    %div3A_146 = vector.broadcast %div3A : f32 to vector<1024x1xf32>
    %div3A_147 = arith.divf %broadcast_in_dim3A_145, %div3A_146 : vector<1024x1xf32>
    %sub3A_148 = vector.broadcast %div3A_147 : vector<1024x1xf32> to vector<1024x256xf32>
    %sub3A_149 = arith.subf %add3A_142, %sub3A_148 : vector<1024x256xf32>
    %integer_pow3A = arith.mulf %sub3A_149, %sub3A_149 : vector<1024x256xf32>
    %reduce_sum3A_150 = arith.constant dense<0.000000e+00> : vector<1024xf32>
    %reduce_sum3A_151 = vector.multi_reduction <add>, %integer_pow3A, %reduce_sum3A_150 [1] : vector<1024x256xf32> to vector<1024xf32>
    %broadcast_in_dim3A_152 = vector.shape_cast %reduce_sum3A_151 : vector<1024xf32> to vector<1024x1xf32>
    %div3A_153 = arith.constant 2.560000e+02 : f32
    %div3A_154 = vector.broadcast %div3A_153 : f32 to vector<1024x1xf32>
    %div3A_155 = arith.divf %broadcast_in_dim3A_152, %div3A_154 : vector<1024x1xf32>
    %sub3A_156 = vector.broadcast %div3A_147 : vector<1024x1xf32> to vector<1024x256xf32>
    %sub3A_157 = arith.subf %add3A_142, %sub3A_156 : vector<1024x256xf32>
    %add3A_158 = arith.constant 9.99999974E-6 : f32
    %add3A_159 = vector.broadcast %add3A_158 : f32 to vector<1024x1xf32>
    %add3A_160 = arith.addf %div3A_155, %add3A_159 : vector<1024x1xf32>
    %sqrt3A_161 = math.sqrt %add3A_160 : vector<1024x1xf32>
    %div3A_162 = vector.broadcast %sqrt3A_161 : vector<1024x1xf32> to vector<1024x256xf32>
    %div3A_163 = arith.divf %sub3A_157, %div3A_162 : vector<1024x256xf32>
    %get3A_164 = arith.constant 0 : index
    %get3A_165 = arith.constant 0 : index
    %get3A_166 = vector.load %arg10[%get3A_164, %get3A_165] : memref<1x256xf32, #tpu.memory_space<vmem>>, vector<1x256xf32>
    %mul3A_167 = vector.broadcast %get3A_166 : vector<1x256xf32> to vector<1024x256xf32>
    %mul3A_168 = arith.mulf %div3A_163, %mul3A_167 : vector<1024x256xf32>
    %get3A_169 = arith.constant 0 : index
    %get3A_170 = arith.constant 0 : index
    %get3A_171 = vector.load %arg11[%get3A_169, %get3A_170] : memref<1x256xf32, #tpu.memory_space<vmem>>, vector<1x256xf32>
    %add3A_172 = vector.broadcast %get3A_171 : vector<1x256xf32> to vector<1024x256xf32>
    %add3A_173 = arith.addf %mul3A_168, %add3A_172 : vector<1024x256xf32>
    %mul3A_174 = arith.constant 5.000000e-01 : f32
    %mul3A_175 = vector.broadcast %mul3A_174 : f32 to vector<1024x256xf32>
    %mul3A_176 = arith.mulf %mul3A_175, %add3A_173 : vector<1024x256xf32>
    %mul3A_177 = arith.constant 0.707106769 : f32
    %mul3A_178 = vector.broadcast %mul3A_177 : f32 to vector<1024x256xf32>
    %mul3A_179 = arith.mulf %add3A_173, %mul3A_178 : vector<1024x256xf32>
    %sign3A = tpu.bitcast %mul3A_179 : vector<1024x256xf32> -> vector<1024x256xi32>
    %sign3A_180 = arith.constant -2147483648 : i32
    %sign3A_181 = vector.broadcast %sign3A_180 : i32 to vector<1024x256xi32>
    %sign3A_182 = arith.andi %sign3A, %sign3A_181 : vector<1024x256xi32>
    %sign3A_183 = arith.constant 1065353216 : i32
    %sign3A_184 = vector.broadcast %sign3A_183 : i32 to vector<1024x256xi32>
    %sign3A_185 = arith.ori %sign3A_184, %sign3A_182 : vector<1024x256xi32>
    %sign3A_186 = tpu.bitcast %sign3A_185 : vector<1024x256xi32> -> vector<1024x256xf32>
    %sign3A_187 = math.absf %mul3A_179 : vector<1024x256xf32>
    %sign3A_188 = arith.constant 0.000000e+00 : f32
    %sign3A_189 = vector.broadcast %sign3A_188 : f32 to vector<1024x256xf32>
    %sign3A_190 = arith.cmpf ogt, %sign3A_187, %sign3A_189 : vector<1024x256xf32>
    %sign3A_191 = arith.select %sign3A_190, %sign3A_186, %mul3A_179 : vector<1024x256xi1>, vector<1024x256xf32>
    %abs3A = math.absf %mul3A_179 : vector<1024x256xf32>
    %mul3A_192 = arith.constant 0.327591091 : f32
    %mul3A_193 = vector.broadcast %mul3A_192 : f32 to vector<1024x256xf32>
    %mul3A_194 = arith.mulf %mul3A_193, %abs3A : vector<1024x256xf32>
    %add3A_195 = arith.constant 1.000000e+00 : f32
    %add3A_196 = vector.broadcast %add3A_195 : f32 to vector<1024x256xf32>
    %add3A_197 = arith.addf %add3A_196, %mul3A_194 : vector<1024x256xf32>
    %div3A_198 = arith.constant 1.000000e+00 : f32
    %div3A_199 = vector.broadcast %div3A_198 : f32 to vector<1024x256xf32>
    %div3A_200 = arith.divf %div3A_199, %add3A_197 : vector<1024x256xf32>
    %mul3A_201 = arith.constant 1.06140542 : f32
    %mul3A_202 = vector.broadcast %mul3A_201 : f32 to vector<1024x256xf32>
    %mul3A_203 = arith.mulf %mul3A_202, %div3A_200 : vector<1024x256xf32>
    %add3A_204 = arith.constant -1.45315206 : f32
    %add3A_205 = vector.broadcast %add3A_204 : f32 to vector<1024x256xf32>
    %add3A_206 = arith.addf %mul3A_203, %add3A_205 : vector<1024x256xf32>
    %mul3A_207 = arith.mulf %add3A_206, %div3A_200 : vector<1024x256xf32>
    %add3A_208 = arith.constant 1.42141378 : f32
    %add3A_209 = vector.broadcast %add3A_208 : f32 to vector<1024x256xf32>
    %add3A_210 = arith.addf %mul3A_207, %add3A_209 : vector<1024x256xf32>
    %mul3A_211 = arith.mulf %add3A_210, %div3A_200 : vector<1024x256xf32>
    %add3A_212 = arith.constant -0.284496725 : f32
    %add3A_213 = vector.broadcast %add3A_212 : f32 to vector<1024x256xf32>
    %add3A_214 = arith.addf %mul3A_211, %add3A_213 : vector<1024x256xf32>
    %mul3A_215 = arith.mulf %add3A_214, %div3A_200 : vector<1024x256xf32>
    %add3A_216 = arith.constant 0.254829586 : f32
    %add3A_217 = vector.broadcast %add3A_216 : f32 to vector<1024x256xf32>
    %add3A_218 = arith.addf %mul3A_215, %add3A_217 : vector<1024x256xf32>
    %mul3A_219 = arith.mulf %add3A_218, %div3A_200 : vector<1024x256xf32>
    %neg3A = arith.constant 0.000000e+00 : f32
    %neg3A_220 = vector.broadcast %neg3A : f32 to vector<1024x256xf32>
    %neg3A_221 = arith.subf %neg3A_220, %abs3A : vector<1024x256xf32>
    %mul3A_222 = arith.mulf %neg3A_221, %abs3A : vector<1024x256xf32>
    %exp3A = math.exp %mul3A_222 : vector<1024x256xf32>
    %mul3A_223 = arith.mulf %mul3A_219, %exp3A : vector<1024x256xf32>
    %sub3A_224 = arith.constant 1.000000e+00 : f32
    %sub3A_225 = vector.broadcast %sub3A_224 : f32 to vector<1024x256xf32>
    %sub3A_226 = arith.subf %sub3A_225, %mul3A_223 : vector<1024x256xf32>
    %mul3A_227 = arith.mulf %sign3A_191, %sub3A_226 : vector<1024x256xf32>
    %add3A_228 = arith.constant 1.000000e+00 : f32
    %add3A_229 = vector.broadcast %add3A_228 : f32 to vector<1024x256xf32>
    %add3A_230 = arith.addf %add3A_229, %mul3A_227 : vector<1024x256xf32>
    %mul3A_231 = arith.mulf %mul3A_176, %add3A_230 : vector<1024x256xf32>
    %get3A_232 = arith.constant 0 : index
    %get3A_233 = arith.constant 0 : index
    %get3A_234 = vector.load %arg12[%get3A_232, %get3A_233] : memref<256x1xf32, #tpu.memory_space<vmem>>, vector<256x1xf32>
    %dot_general3A_235 = arith.constant dense<0.000000e+00> : vector<1024x1xf32>
    %dot_general3A_236 = tpu.matmul %mul3A_231, %get3A_234, %dot_general3A_235 {dimension_numbers = #tpu.dot_dimension_numbers<[1], [0], [0], [1], [0, 0, 1, 1], [], []>, transpose_lhs_hint = false} : vector<1024x256xf32>, vector<256x1xf32>, vector<1024x1xf32> -> vector<1024x1xf32>
    %get3A_237 = arith.constant 0 : index
    %get3A_238 = arith.constant 0 : index
    %get3A_239 = vector.load %arg13[%get3A_237, %get3A_238] : memref<1x1xf32, #tpu.memory_space<vmem>>, vector<1x1xf32>
    %add3A_240 = vector.broadcast %get3A_239 : vector<1x1xf32> to vector<1024x1xf32>
    %add3A_241 = arith.addf %dot_general3A_236, %add3A_240 : vector<1024x1xf32>
    %broadcast_in_dim3A_242 = vector.shape_cast %add3A_241 : vector<1024x1xf32> to vector<1x1024x1xf32>
    %swap3A = arith.constant 0 : index
    %swap3A_243 = arith.constant 0 : index
    %swap3A_244 = arith.constant 0 : index
    %swap3A_245 = vector.load %arg14[%swap3A, %swap3A_243, %swap3A_244] : memref<1x1024x1xf32, #tpu.memory_space<vmem>>, vector<1x1024x1xf32>
    tpu.vector_store %arg14[%swap3A, %swap3A_243, %swap3A_244], %broadcast_in_dim3A_242 {strides = array<i32>} : memref<1x1024x1xf32, #tpu.memory_space<vmem>>, vector<1x1024x1xf32>,
    return
  }
  func.func @transform_0(%arg0: i32, %arg1: i32) -> (i32, i32, i32) {
    %c0_i32 = arith.constant 0 : i32
    %c0_i32_0 = arith.constant 0 : i32
    return %arg0, %arg1, %c0_i32 : i32, i32, i32
  }
  func.func @transform_1(%arg0: i32, %arg1: i32) -> (i32, i32, i32) {
    %c0_i32 = arith.constant 0 : i32
    %c0_i32_0 = arith.constant 0 : i32
    %c0_i32_1 = arith.constant 0 : i32
    return %arg0, %c0_i32, %c0_i32_0 : i32, i32, i32
  }
  func.func @transform_2(%arg0: i32, %arg1: i32) -> (i32, i32, i32) {
    %c0_i32 = arith.constant 0 : i32
    %c0_i32_0 = arith.constant 0 : i32
    %c0_i32_1 = arith.constant 0 : i32
    return %arg0, %c0_i32, %c0_i32_0 : i32, i32, i32
  }
  func.func @transform_3(%arg0: i32, %arg1: i32) -> (i32, i32, i32) {
    %c0_i32 = arith.constant 0 : i32
    %c0_i32_0 = arith.constant 0 : i32
    %c0_i32_1 = arith.constant 0 : i32
    return %arg0, %c0_i32, %c0_i32_0 : i32, i32, i32
  }
  func.func @transform_4(%arg0: i32, %arg1: i32) -> (i32, i32) {
    %c0_i32 = arith.constant 0 : i32
    %c0_i32_0 = arith.constant 0 : i32
    %c0_i32_1 = arith.constant 0 : i32
    return %c0_i32, %c0_i32_0 : i32, i32
  }
  func.func @transform_5(%arg0: i32, %arg1: i32) -> (i32, i32) {
    %c0_i32 = arith.constant 0 : i32
    %c0_i32_0 = arith.constant 0 : i32
    %c0_i32_1 = arith.constant 0 : i32
    return %c0_i32, %c0_i32_0 : i32, i32
  }
  func.func @transform_6(%arg0: i32, %arg1: i32) -> (i32, i32) {
    %c0_i32 = arith.constant 0 : i32
    %c0_i32_0 = arith.constant 0 : i32
    %c0_i32_1 = arith.constant 0 : i32
    return %c0_i32, %c0_i32_0 : i32, i32
  }
  func.func @transform_7(%arg0: i32, %arg1: i32) -> (i32, i32) {
    %c0_i32 = arith.constant 0 : i32
    %c0_i32_0 = arith.constant 0 : i32
    %c0_i32_1 = arith.constant 0 : i32
    return %c0_i32, %c0_i32_0 : i32, i32
  }
  func.func @transform_8(%arg0: i32, %arg1: i32) -> (i32, i32) {
    %c0_i32 = arith.constant 0 : i32
    %c0_i32_0 = arith.constant 0 : i32
    %c0_i32_1 = arith.constant 0 : i32
    return %c0_i32, %c0_i32_0 : i32, i32
  }
  func.func @transform_9(%arg0: i32, %arg1: i32) -> (i32, i32) {
    %c0_i32 = arith.constant 0 : i32
    %c0_i32_0 = arith.constant 0 : i32
    %c0_i32_1 = arith.constant 0 : i32
    return %c0_i32, %c0_i32_0 : i32, i32
  }
  func.func @transform_10(%arg0: i32, %arg1: i32) -> (i32, i32) {
    %c0_i32 = arith.constant 0 : i32
    %c0_i32_0 = arith.constant 0 : i32
    %c0_i32_1 = arith.constant 0 : i32
    return %c0_i32, %c0_i32_0 : i32, i32
  }
  func.func @transform_11(%arg0: i32, %arg1: i32) -> (i32, i32) {
    %c0_i32 = arith.constant 0 : i32
    %c0_i32_0 = arith.constant 0 : i32
    %c0_i32_1 = arith.constant 0 : i32
    return %c0_i32, %c0_i32_0 : i32, i32
  }
  func.func @transform_12(%arg0: i32, %arg1: i32) -> (i32, i32, i32) {
    %c0_i32 = arith.constant 0 : i32
    %c0_i32_0 = arith.constant 0 : i32
    return %arg0, %arg1, %c0_i32 : i32, i32, i32
  }
}

</mosaic_0001>

<sc_bundles>
// kernel: kernel.5.cloned.1.call-start
scs
__scs_entry_jumppad:
0x0: {  	(pc) =	sbr.rel $0x88, $3  }
0x1: {  	(tag) =	ssettag $0x0;
	lr =	simm.s32 $0x1  }
0x2: {  	[smem:$0x3F93] =	sst lr;
	_ =	strace $0xD0000000  }
0x3: {  	_ = 	snop  }
0x4: {  	_ = 	snop  }
0x5: {  	_ = 	snop  }
0x6: {  	_ = 	snop  }
0x7: {  	_ = 	snop  }
__scs_overlays_trampoline_lowered:
0x8: {  	[smem:$0x3FA2] =	sst s0  }
0x9: {  	[smem:$0x3FA3] =	sst s1  }
0xa: {  	[smem:$0x3FA4] =	sst s2  }
0xb: {  	[smem:$0x3FA5] =	sst s3  }
0xc: {  	[smem:$0x3FA6] =	sst s4  }
0xd: {  	[smem:$0x3FA7] =	sst s5  }
0xe: {  	[smem:$0x3FA8] =	sst s6  }
0xf: {  	[smem:$0x3FA9] =	sst s7  }
0x10: {  	[smem:$0x3FAA] =	sst s8  }
0x11: {  	[smem:$0x3FAB] =	sst s9;
	s0 =	simm.s32 @!p0 $0x0  }
0x12: {  	s1 =	sld [smem:$0x3F91];
	s0 =	simm.s32 @p0 $0x1  }
0x13: {  	[smem:$0x3FAC] =	sst s0;
	s0 =	simm.s32 @!p1 $0x0  }
0x14: {  	s2 =	sld [smem:$0x3F90];
	s0 =	simm.s32 @p1 $0x1  }
0x15: {  	[smem:$0x3FAD] =	sst s0;
	s0 =	simm.s32 @!p2 $0x0  }
0x16: {  	s3 =	sld [smem:$0x3FDB];
	s0 =	simm.s32 @p2 $0x1  }
0x17: {  	s4 =	simm.s32 $0x1BF5;
	[smem:$0x3FAF] =	sst s0  }
0x18: {  	s0 =	sld [smem:$0x3F92];
	_ =	swait.ge [sflag:s4], $0x0  }
0x19: {  	s7 =	sld [smem:$0x3F93]  }
0x1a: {  	s8 =	sadd.s32 $0xFFFFE003, lr  }
0x1b: {  	s9 =	sadd.s32 $0xFFFFFEF7, lr;
	s5 =	simm.s32 $0xFFFFFFFF;
	p2 =	slt.u32 s8, $0xFFFFF086  }
0x1c: {  	p1 =	slt.u32 s9, $0xF7A;
	s5 =	simm.s32 @!p2 $0x0  }
0x1d: {  	s5 =	simm.s32 @p1 $0x1;
	p0 =	seq.s32 s7, s2  }
0x1e: {  	s7 =	smul.u32 @!p0 $0xF7A, s2;
	p2 =	seq.s32 @!p0 s5, $0x0  }
0x1f: {  	s9 =	smul.u32 $0xF7A, s1;
	s8 =	simm.s32 @!p0 $0x1BF5;
	p2 =	por !p2, p0  }
0x20: {  	[sflag:s8] =	ssyncset.s32 @!p0 $0xFFFFF086;
	s6 =	sadd.s32 @!p0 s3, s7;
	s7 =	simm.s32 @!p0 $0x108  }
0x21: {  	s3 =	sadd.s32 s3, s9;
	s6 =	sadd.s32 @!p0 $0x88, s6;
	s7 =	simm.s32 @p2 $0x1082  }
0x22: {  	[simem:s7], [sflag:s8] =	dma.local @!p0 [hbm:s6], $0xF7A  }
0x23: {  	s9 =	sor.u32 $0xD0000000, s2;
	s6 =	simm.s32 $0x108;
	_ =	swait.ge @!p0 [sflag:s8], $0x0  }
0x24: {  	s3 =	sadd.s32 $0x88, s3;
	s6 =	simm.s32 @!p1 $0x1082;
	[sflag:s4] =	ssyncset.s32 $0xFFFFF086  }
0x25: {  	[simem:s6], [sflag:s4] =	dma.local [hbm:s3], $0xF7A  }
0x26: {  	[smem:$0x3F93] =	sst s1;
	(tag) =	ssettag s2;
	_ =	strace s9  }
0x27: {  	s1 =	sld [smem:$0x3FA3]  }
0x28: {  	s2 =	sld [smem:$0x3FA4]  }
0x29: {  	s4 =	sld [smem:$0x3FA6]  }
0x2a: {  	p0 =	seq.s32 s5, $0x0;
	s5 =	sld [smem:$0x3FA7]  }
0x2b: {  	s6 =	sld [smem:$0x3FA8]  }
0x2c: {  	s7 =	sld [smem:$0x3FA9]  }
0x2d: {  	s3 =	simm.s32 $0x108;
	s8 =	sld [smem:$0x3FAA]  }
0x2e: {  	s3 =	simm.s32 @!p0 $0x1082;
	s9 =	sld [smem:$0x3FAB]  }
0x2f: {  	lr =	sadd.s32 s0, s3;
	s0 =	sld [smem:$0x3FA2]  }
0x30: {  	s3 =	sld [smem:$0x3FA5]  }
0x31: {  	[smem:$0x3FAE] =	sst s10  }
0x32: {  	s10 =	sld [smem:$0x3FAC];
	_ =	sdelay $0x3  }
0x33: {  	p0 =	seq.s32 s10, $0x1;
	s10 =	sld [smem:$0x3FAE];
	_ =	sdelay $0x3  }
0x34: {  	[smem:$0x3FAE] =	sst s10  }
0x35: {  	s10 =	sld [smem:$0x3FAD];
	_ =	sdelay $0x3  }
0x36: {  	p1 =	seq.s32 s10, $0x1;
	s10 =	sld [smem:$0x3FAE];
	_ =	sdelay $0x3  }
0x37: {  	[smem:$0x3FAE] =	sst s10  }
0x38: {  	s10 =	sld [smem:$0x3FAF]  }
0x39: {  	_ = 	snop;
	(pc) =	sbr.ind lr, $3  }
0x3a: {  	_ = 	snop  }
0x3b: {  	_ = 	snop  }
0x3c: {  	p2 =	seq.s32 s10, $0x1;
	s10 =	sld [smem:$0x3FAE]  }
0x3d: {  	_ =	shalt  }
0x3e: {  	_ =	shalt  }
0x3f: {  	_ =	shalt  }
0x40: {  	_ =	shalt  }
0x41: {  	_ =	shalt  }
0x42: {  	_ =	shalt  }
0x43: {  	_ =	shalt  }
0x44: {  	_ =	shalt  }
0x45: {  	_ =	shalt  }
0x46: {  	_ =	shalt  }
0x47: {  	_ =	shalt  }
0x48: {  	_ =	shalt  }
0x49: {  	_ =	shalt  }
0x4a: {  	_ =	shalt  }
0x4b: {  	_ =	shalt  }
0x4c: {  	_ =	shalt  }
0x4d: {  	_ =	shalt  }
0x4e: {  	_ =	shalt  }
0x4f: {  	_ =	shalt  }
0x50: {  	_ =	shalt  }
0x51: {  	_ =	shalt  }
0x52: {  	_ =	shalt  }
0x53: {  	_ =	shalt  }
0x54: {  	_ =	shalt  }
0x55: {  	_ =	shalt  }
0x56: {  	_ =	shalt  }
0x57: {  	_ =	shalt  }
0x58: {  	_ =	shalt  }
0x59: {  	_ =	shalt  }
0x5a: {  	_ =	shalt  }
0x5b: {  	_ =	shalt  }
0x5c: {  	_ =	shalt  }
0x5d: {  	_ =	shalt  }
0x5e: {  	_ =	shalt  }
0x5f: {  	_ =	shalt  }
0x60: {  	_ =	shalt  }
0x61: {  	_ =	shalt  }
0x62: {  	_ =	shalt  }
0x63: {  	_ =	shalt  }
0x64: {  	_ =	shalt  }
0x65: {  	_ =	shalt  }
0x66: {  	_ =	shalt  }
0x67: {  	_ =	shalt  }
0x68: {  	_ =	shalt  }
0x69: {  	_ =	shalt  }
0x6a: {  	_ =	shalt  }
0x6b: {  	_ =	shalt  }
0x6c: {  	_ =	shalt  }
0x6d: {  	_ =	shalt  }
0x6e: {  	_ =	shalt  }
0x6f: {  	_ =	shalt  }
0x70: {  	_ =	shalt  }
0x71: {  	_ =	shalt  }
0x72: {  	_ =	shalt  }
0x73: {  	_ =	shalt  }
0x74: {  	_ =	shalt  }
0x75: {  	_ =	shalt  }
0x76: {  	_ =	shalt  }
0x77: {  	_ =	shalt  }
0x78: {  	_ =	shalt  }
0x79: {  	_ =	shalt  }
0x7a: {  	_ =	shalt  }
0x7b: {  	_ =	shalt  }
0x7c: {  	_ =	shalt  }
0x7d: {  	_ =	shalt  }
0x7e: {  	_ =	shalt  }
0x7f: {  	_ =	shalt  }
0x80: {  	_ =	shalt  }
0x81: {  	_ =	shalt  }
0x82: {  	_ =	shalt  }
0x83: {  	_ =	shalt  }
0x84: {  	_ =	shalt  }
0x85: {  	_ =	shalt  }
0x86: {  	_ =	shalt  }
0x87: {  	_ =	shalt  }
.Lfunc_end0:
.L_simem_size_0:
called_computation_lowered:
.L_overlay_start_0:
0x88: {  	s2 =	sld [smem:$0x3FD9]  }
0x89: {  	s3 =	sld [smem:$0x3FFE];
	_ =	sdelay $0x1  }
0x8a: {  	s1 =	srdreg.scid  }
0x8b: {  	s0 =	sand.u32 $0x1, s1  }
0x8c: {  	s16 =	sshll.u32 s0, $0xA;
	s2 =	sadd.s32 s3, s2  }
0x8d: {  	s2 =	sadd.s32 s2, s16  }
0x8e: {  	[smem:$0x3FBA] =	sst s2  }
0x8f: {  	_ = 	snop  }
0x90: {  	(tm) =	ssettm $0x1  }
0x91: {  	s17 =	sld [smem:$0x3FFB];
	_ =	sdelay $0x3  }
0x92: {  	_ =	strace s17  }
0x93: {  	s2 =	sld [smem:$0x3FFC];
	_ =	sdelay $0x3  }
0x94: {  	_ =	strace s2  }
0x95: {  	s2 =	sld [smem:$0x3FFD];
	_ =	sdelay $0x3  }
0x96: {  	_ =	strace s2  }
0x97: {  	_ =	strace $0x8FFFFFFF  }
0x98: {  	s18 =	sld [smem:$0x3FDB];
	_ =	sdelay $0x1  }
0x99: {  	s19 =	simm.s32 $_scs_section_size  }
0x9a: {  	s4 =	simm.s32 $_size__tile_overlayer_lowered;
	s5 =	simm.s32 $_tile_overlayer_lowered  }
0x9b: {  	s22 =	simm.s32 $0x1BFF;
	s21 =	sshll.u32 s5, $0x1;
	s2 =	sadd.s32 s19, s18  }
0x9c: {  	s6 =	simm.s32 $0x0;
	s20 =	sshll.u32 s4, $0x1;
	s4 =	sadd.s32 s21, s2  }
0x9d: {  	[timem:s6], [sflag:s22] =	dma.local [hbm:s4], s20  }
0x9e: {  	_ =	swait.ge [sflag:s22], s20  }
0x9f: {  	s3 =	ssub.s32 $0x0, s20;
	[sflag:s22] =	ssyncset.done $0x0  }
0xa0: {  	[sflag:s22] =	ssyncadd.s32 s3;
	_ =	sdelay $0x1  }
0xa1: {  	s23 =	simm.s32 $0x1B8B  }
0xa2: {  	_ =	swait.ge [sflag:s23], $0x1  }
0xa3: {  	[sflag:s23] =	ssyncset.done $0x0  }
0xa4: {  	s25 =	simm.s32 $0x1B8E;
	s24 =	sld [smem:$0x3FFE];
	[sflag:s23] =	ssyncadd.s32 $0xFFFFFFFF  }
0xa5: {  	s26 =	simm.s32 $execute0_lowered;
	[smem:$0x3FD2] =	sst s25  }
0xa6: {  	s4 =	sshll.u32 s26, $0x1;
	_ =	strace $0x80000046;
	[dreg:$0x1] =	wrdreg $0xFFFFFFFF  }
0xa7: {  	s28 =	simm.s32 $_size_execute0_lowered;
	s2 =	sadd.s32 s2, s4;
	[dreg:$0x0] =	wrdreg $0x0  }
0xa8: {  	s4 =	sshll.u32 s28, $0x1;
	[dreg:$0x2] =	wrdreg s2  }
0xa9: {  	[dreg:$0x3] =	wrdreg s4  }
0xaa: {  	[dreg:$0x4] =	wrdreg $0xC0  }
0xab: {  	_ =	task [dreg:s6], $0x5FFFF  }
0xac: {  	[dreg:$0x1] =	wrdreg $0xFFFFFFFF  }
0xad: {  	[dreg:$0x0] =	wrdreg $0x60  }
0xae: {  	[dreg:$0x2] =	wrdreg s24  }
0xaf: {  	[dreg:$0x3] =	wrdreg $0x101000  }
0xb0: {  	[dreg:$0x4] =	wrdreg $0x9  }
0xb1: {  	_ =	task.clear_ibuf [dreg:s6], $0x5FFFF;
	_ =	strace $0x90000046  }
0xb2: {  	s29 =	simm.s32 $0x9;
	_ =	strace $0x80000048  }
0xb3: {  	_ =	swait.ge [sflag:s29], $0x1  }
0xb4: {  	[sflag:s29] =	ssyncadd.s32 $0xFFFFFFFF  }
0xb5: {  	_ =	strace $0x90000048  }
0xb6: {  	_ =	sfence  }
0xb7: {  	s30 =	sld [smem:$0x0];
	_ =	sdelay $0x2  }
0xb8: {  	s31 =	sshll.u32 s1, $0xD;
	s1 =	sshrl.u32 s1, $0x2  }
0xb9: {  	s3 =	sand.u32 $0x4000, s31;
	s1 =	sadd.s32 s1, s30  }
0xba: {  	s0 =	sor.u32 s3, s0;
	s1 =	sshll.u32 s1, $0x11  }
0xbb: {  	s0 =	sor.u32 s1, s0  }
0xbc: {  	s0 =	sadd.s32 $0x8F2B, s0  }
0xbd: {  	[sflag:s0] =	ssyncadd.remote.s32 $0x1  }
0xbe: {  	_ =	sfence.sel $0xFFFF  }
0xbf: {  	[dreg:$0x0] =	wrdreg $0xFFFFFFFF;
	(pc) =	sbr.abs _section_cstart, $3  }
0xc0: {  	[dreg:$0x1] =	wrdreg $0xFFFFFFFF  }
0xc1: {  	_ =	task.clear_ibuf [dreg:s6], $0x2FFFF;
	_ =	strace $0x9FFFFFFF  }
0xc2: {  	(tm) =	ssettm $0x7FFFFFFF  }
0xc3: {  	_ =	shalt  }
tec
execute0_lowered:
.L_overlay_start_1:
0x0: {  	(tag) =	ssettag $0x1  }
0x1: {  	s4 =	rddreg [dreg:$0x0]  }
0x2: {  	s2 =	rddreg [dreg:$0x1]  }
0x3: {  	s0 =	rddreg [dreg:$0x2]  }
0x4: {  	s5 =	srdreg.scid;
	s3 =	simm.s32 $0x0;
	s1 =	stileid.u32  }
0x5: {  	s12 =	simm.s32 $0x80;
	s13 =	simm.s32 $0x100;
	s14 =	simm.s32 $0x4100  }
0x6: {  	s17 =	simm.s32 $0x0;
	s5 =	sand.u32 $0x1, s5;
	[smem:$0x7FF] =	sst s3  }
0x7: {  	s7 =	sshll.u32 s1, $0x8;
	s9 =	sshll.u32 s1, $0x7;
	s10 =	sshll.u32 s1, $0xF  }
0x8: {  	s15 =	sshll.u32 s1, $0x6;
	s6 =	sshll.u32 s5, $0xC;
	_ =	strace $0x80000047  }
0x9: {  	s8 =	sshll.u32 s5, $0xB;
	s5 =	ssub.s32 $0x2, s5;
	s15 =	sor.u32 $0x1C01, s15  }
0xa: {  	s6 =	sor.u32 s7, s6;
	s8 =	sor.u32 s9, s8;
	s31 =	sshrl.u32 s5, $0x1  }
0xb: {  	s7 =	sshll.u32 s6, $0x4;
	s6 =	sshrl.u32 s6, $0x3;
	s9 =	sshll.u32 s8, $0x4  }
0xc: {  	s11 =	ssub.s32 s5, s31;
	s8 =	sshll.u32 s8, $0x7;
	s7 =	sadd.s32 s7, s4  }
0xd: {  	s6 =	sadd.s32 s6, s4;
	s9 =	sadd.s32 s9, s4;
	s4 =	sadd.s32 s10, s2  }
0xe: {  	s16 =	sadd.s32 s8, s2;
	s10 =	simm.s32 $0x8100;
	s5 =	sadd.s32 $0x22000, s6  }
0xf: {  	s6 =	sadd.s32 $0x22010, s6;
	s7 =	sadd.s32 $0x2000, s7;
	s8 =	sadd.s32 $0x22400, s9  }
0x10: {  	v0 =	vimm.f32 $0.0e+00;
	s9 =	smax.u32 s11, $0x1;
	s11 =	simm.s32 $0x1;
	s16 =	sshrl.u32 s16, $0x3  }
.LBB2_1:
0x11: {  	s18 =	simm.s32 $0x0;
	s19 =	simm.s32 $0x200  }
.LBB2_2:
0x12: {  	p0 =	sne.s32 s19, $0x1FE00;
	[tilespmem:s18+$0x8170] =	vst v0  }
0x13: {  	[tilespmem:s18+$0x8100] =	vst v0  }
0x14: {  	[tilespmem:s18+$0x8110] =	vst v0  }
.Ltmp0:
0x15: {  	[tilespmem:s18+$0x8120] =	vst v0;
	(pc) =	sbr.rel @p0 .LBB2_2-.Ltmp0, $4  }
0x16: {  	[tilespmem:s18+$0x8130] =	vst v0  }
0x17: {  	[tilespmem:s18+$0x8140] =	vst v0  }
0x18: {  	[tilespmem:s18+$0x8150] =	vst v0  }
0x19: {  	[tilespmem:s18+$0x8160] =	vst v0;
	s18 =	sshra.s32 s19, $0x2;
	s19 =	sadd.s32 $0x200, s19  }
0x1a: {  	[tilespmem:s18+$0x8170] =	vst v0  }
0x1b: {  	[tilespmem:s18+$0x8100] =	vst v0  }
0x1c: {  	[tilespmem:s18+$0x8110] =	vst v0  }
0x1d: {  	[tilespmem:s18+$0x8120] =	vst v0  }
0x1e: {  	[tilespmem:s18+$0x8130] =	vst v0  }
0x1f: {  	[tilespmem:s18+$0x8140] =	vst v0  }
0x20: {  	[tilespmem:s18+$0x8150] =	vst v0  }
0x21: {  	[tilespmem:s18+$0x8160] =	vst v0  }
0x22: {  	[spmem:s4] =	stream.linear.scatter [tilespmem:s10], [sflag:$0x1], $0x8000, $0x38;
	[tilespmem:$0x18100] =	vst v63  }
0x23: {  	_ =	swait.ge [sflag:s11], $0x8000  }
0x24: {  	[sflag:s11] =	ssyncset.done $0x0  }
0x25: {  	[sflag:s11] =	ssyncadd.s32 $0xFFFF8000  }
0x26: {  	[tilespmem:s3], [sflag:$0x1] =	stream.linear.gather [hbm4b:s5+s3], $0x80, $0x38;
	[tilespmem:$0x18100] =	vst v63  }
0x27: {  	_ =	swait.ge [sflag:s11], $0x80  }
0x28: {  	[sflag:s11] =	ssyncset.done $0x0  }
0x29: {  	[sflag:s11] =	ssyncadd.s32 $0xFFFFFF80  }
0x2a: {  	[tilespmem:s12], [sflag:$0x1] =	stream.linear.gather [hbm4b:s6+s3], $0x80, $0x38;
	[tilespmem:$0x18100] =	vst v63  }
0x2b: {  	_ =	swait.ge [sflag:s11], $0x80  }
0x2c: {  	[sflag:s11] =	ssyncset.done $0x0  }
0x2d: {  	[sflag:s11] =	ssyncadd.s32 $0xFFFFFF80  }
0x2e: {  	[tilespmem:s13], [sflag:$0x1] =	stream.linear.gather [hbm4b:s7+s3], $0x8000, $0x38;
	[tilespmem:$0x18100] =	vst v63  }
0x2f: {  	_ =	swait.ge [sflag:s11], $0x8000  }
0x30: {  	[sflag:s11] =	ssyncset.done $0x0  }
0x31: {  	[sflag:s11] =	ssyncadd.s32 $0xFFFF8000  }
0x32: {  	[bflag:$0x0] =	sbarrier.arrive $0xFFFF  }
0x33: {  	[spmem:s2] =	stream.indirect.scatter.add.f32 [tilespmem:s13], [sflag:$0x1], $0x80, s3, s12, $0xb8;
	[tilespmem:$0x18100] =	vst v63  }
0x34: {  	_ =	swait.ge [sflag:s11], $0x4000  }
0x35: {  	[sflag:s11] =	ssyncset.done $0x0  }
0x36: {  	[sflag:s11] =	ssyncadd.s32 $0xFFFFC000  }
0x37: {  	[spmem:s2] =	stream.indirect.scatter.add.f32 [tilespmem:s14], [sflag:$0x1], $0x80, s12, s12, $0xb8;
	[tilespmem:$0x18100] =	vst v63  }
0x38: {  	_ =	swait.ge [sflag:s11], $0x4000  }
0x39: {  	s17 =	sadd.s32 $0x1, s17;
	[sflag:s11] =	ssyncset.done $0x0  }
0x3a: {  	p0 =	sne.s32 s17, s9;
	[sflag:s11] =	ssyncadd.s32 $0xFFFFC000  }
.Ltmp1:
0x3b: {  	[bflag:$0x0] =	sbarrier.arrive $0xFFFF;
	(pc) =	sbr.rel @p0 .LBB2_1-.Ltmp1, $4  }
0x3c: {  	[hbm:s8], [sflag:s15] =	dma.local [spmem:s16], $0x800  }
0x3d: {  	_ =	swait.ge [sflag:s11], $0x800  }
0x3e: {  	[sflag:s11] =	ssyncset.done $0x0  }
0x3f: {  	[sflag:s11] =	ssyncadd.s32 $0xFFFFF800  }
0x40: {  	_ =	sfence.sel $0x180000  }
0x41: {  	[bflag:$0x0] =	sbarrier.arrive $0xFFFF  }
0x42: {  	p0 =	sne.s32 s1, $0x0;
	_ =	strace $0x90000047  }
0x43: {  	s0 =	sadd.s32 @!p0 $0x100000, s0;
	[bflag:$0x2] =	sbarrier.arrive $0xFFFF  }
0x44: {  	[sflag:s0] =	ssyncadd.tile.s32 @!p0 $0x1;
	_ =	shalt  }
.Lfunc_end2:
_tile_overlayer_lowered:
.L_overlay_start_2:
0x45: {  	(tag) =	ssettag $0x2  }
0x46: {  	s0 =	rddreg [dreg:$0x0];
	s2 =	stileid.u32  }
0x47: {  	s1 =	rddreg [dreg:$0x1];
	p0 =	sne.s32 s2, $0x0  }
0x48: {  	s3 =	rddreg [dreg:$0x2];
	[bflag:$0x3] =	sbarrier.arrive $0xFFFF;
	s2 =	simm.s32 @!p0 $0x1C01  }
0x49: {  	[timem:s3], [sflag:s2] =	dma.local @!p0 [hbm:s0], s1  }
0x4a: {  	s0 =	simm.s32 @!p0 $0x1  }
0x4b: {  	_ =	swait.ge @!p0 [sflag:s0], s1  }
0x4c: {  	s1 =	ssub.s32 @!p0 $0x0, s1;
	[sflag:s0] =	ssyncset.done @!p0 $0x0  }
0x4d: {  	[sflag:s0] =	ssyncadd.s32 @!p0 s1  }
0x4e: {  	[bflag:$0x3] =	sbarrier.arrive $0xFFFF  }
0x4f: {  	_ =	shalt  }

</sc_bundles>
